<compile_context>
chip_gen: v7x
topology: tpu7x:2x2x1
jax: 0.10.2.dev20260603
libtpu: 0.0.44.dev20260713+nightly
codegen_flags: <defaults>
</compile_context>

<pallas_src>
import functools

import jax
import jax.numpy as jnp
from jax import lax
from jax.experimental import pallas as pl
from jax.experimental.pallas import tpu as pltpu
from jax.experimental.pallas import tpu_sc as plsc

D_MODEL = 32
_ROWS, _COLS = 16384, 26
_B = _ROWS * _COLS
_L = 128
_NCHUNK = 4
_U = _NCHUNK * _L
_UPR = _ROWS // _U
_NW = 32
_NU = _COLS * _UPR // _NW


def _make_gather():
    mesh = plsc.VectorSubcoreMesh(core_axis_name="c", subcore_axis_name="s")

    @functools.partial(
        pl.kernel,
        out_type=jax.ShapeDtypeStruct((_COLS, _ROWS, D_MODEL), jnp.float32),
        mesh=mesh,
        scratch_types=[
            pltpu.VMEM((2, _U), jnp.float32),
            pltpu.VMEM((2, _U), jnp.int32),
            pltpu.VMEM((2, _U, D_MODEL), jnp.float32),
            pltpu.SemaphoreType.DMA,
            pltpu.SemaphoreType.DMA,
            pltpu.SemaphoreType.DMA,
            pltpu.SemaphoreType.DMA,
        ],
        compiler_params=pltpu.CompilerParams(use_tc_tiling_on_sc=False,
                                             needs_layout_passes=False),
    )
    def gather(table_hbm, idx_hbm, out_hbm, idxf_v, idx_v, rows_v,
               gsem0, gsem1, osem0, osem1):
        wid = lax.axis_index("s") * 2 + lax.axis_index("c")
        ubase = wid * _NU
        gsems = (gsem0, gsem1)
        osems = (osem0, osem1)

        @pl.loop(0, _NU, step=2)
        def _pair(uo):
            for b in range(2):
                u = ubase + uo + b
                j = u // _UPR
                i0 = (u % _UPR) * _U

                @pl.when(uo != 0)
                def _reclaim():
                    pltpu.make_async_copy(
                        rows_v.at[b],
                        out_hbm.at[j, pl.ds(i0, _U)],
                        osems[b]).wait()

                pltpu.sync_copy(idx_hbm.at[j, pl.ds(i0, _U)], idxf_v.at[b])
                for k in range(_U // 16):
                    idx_v[b, pl.ds(k * 16, 16)] = plsc.bitcast(
                        idxf_v[b, pl.ds(k * 16, 16)], jnp.int32)
                for k in range(_NCHUNK):
                    pltpu.async_copy(
                        table_hbm.at[idx_v.at[b, pl.ds(k * _L, _L)]],
                        rows_v.at[b, pl.ds(k * _L, _L)],
                        gsems[b])
            for b in range(2):
                u = ubase + uo + b
                j = u // _UPR
                i0 = (u % _UPR) * _U
                for k in range(_NCHUNK):
                    pltpu.make_async_copy(
                        table_hbm.at[idx_v.at[b, pl.ds(k * _L, _L)]],
                        rows_v.at[b, pl.ds(k * _L, _L)],
                        gsems[b]).wait()
                pltpu.async_copy(rows_v.at[b],
                                 out_hbm.at[j, pl.ds(i0, _U)],
                                 osems[b])

        for b in range(2):
            u = ubase + _NU - 2 + b
            j = u // _UPR
            i0 = (u % _UPR) * _U
            pltpu.make_async_copy(
                rows_v.at[b],
                out_hbm.at[j, pl.ds(i0, _U)],
                osems[b]).wait()

    return gather


_gather = _make_gather()


@jax.jit
def kernel(x, embed_weight):
    idx = jnp.transpose(lax.bitcast_convert_type(x.astype(jnp.int32),
                                                 jnp.float32))
    out = _gather(embed_weight, idx)
    return jnp.transpose(out, (1, 0, 2))

# --- scband reference (transcript-rebuilt; emitter-appended) ---
"""Pipeline reference for scband-inital-embedding-41308995452939 (READ-ONLY COPY).

The authoritative reference and input builder live on the scoring server;
editing this copy changes nothing except your own understanding.
"""

import jax, jax.numpy as jnp
import numpy as np

D_MODEL = 32
N_VOCAB = 1000000

def setup_inputs(seed: int = 0) -> dict:
    key = jax.random.key(seed)
    k1, k2 = jax.random.split(key)
    x = jax.random.randint(k1, (16384, 26), 0, N_VOCAB, dtype=jnp.int64 if jax.config.jax_enable_x64 else jnp.int32)
    embed_weight = jax.random.normal(k2, (N_VOCAB, D_MODEL), dtype=jnp.float32)
    return {"x": x, "embed_weight": embed_weight}

def reference(x, embed_weight):
    # Faithful translation of InitalEmbedding.forward:
    #   x = x.long(); return self.embed(x)
    idx = x.astype(jnp.int32)
    return jnp.take(embed_weight, idx, axis=0)

if __name__ == "__main__":
    import jax
    _d = setup_inputs()
    print(jax.jit(kernel)(*tuple(_d.values())))

</pallas_src>

<mosaic_0001>
#map = affine_map<(d0, d1) -> (0, 0)>
#map1 = affine_map<(d0, d1) -> (0, 0, 0)>
module attributes {stable_mosaic.version = 14 : i64} {
  func.func @gather(%arg0: i32, %arg1: i32, %arg2: memref<1000000x32xf32, #tpu.memory_space<hbm>>, %arg3: memref<26x16384xf32, #tpu.memory_space<hbm>>, %arg4: memref<26x16384x32xf32, #tpu.memory_space<hbm>>, %arg5: memref<2x512xf32, #tpu.memory_space<vmem>>, %arg6: memref<2x512xi32, #tpu.memory_space<vmem>>, %arg7: memref<2x512x32xf32, #tpu.memory_space<vmem>>, %arg8: memref<!tpu.dma_semaphore, #tpu.memory_space<semaphore_mem>>, %arg9: memref<!tpu.dma_semaphore, #tpu.memory_space<semaphore_mem>>, %arg10: memref<!tpu.dma_semaphore, #tpu.memory_space<semaphore_mem>>, %arg11: memref<!tpu.dma_semaphore, #tpu.memory_space<semaphore_mem>>) attributes {dimension_semantics = [#tpu.dimension_semantics<core_parallel>, #tpu.dimension_semantics<subcore_parallel>], iteration_bounds = array<i64: 2, 16>, scalar_prefetch = 0 : i64, scratch_operands = 7 : i64, tpu.core_type = #tpu.core_type<sc_vector_subcore>, window_params = [{transform_indices = #map}, {transform_indices = #map}, {transform_indices = #map1}]} {
    %mul3A = arith.constant 2 : i32
    %mul3A_0 = arith.muli %arg1, %mul3A : i32
    %add3A = arith.addi %mul3A_0, %arg0 : i32
    %mul3A_1 = arith.constant 26 : i32
    %mul3A_2 = arith.muli %add3A, %mul3A_1 : i32
    %scan3A = arith.constant 0 : i32
    %scan3A_3 = arith.constant 13 : i32
    %scan3A_4 = arith.addi %scan3A, %scan3A_3 : i32
    %scan3A_5 = arith.constant 1 : i32
    scf.for %scan3A_122 = %scan3A to %scan3A_4 step %scan3A_5  : i32 {
      %mul3A_123 = arith.constant 2 : i32
      %mul3A_124 = arith.muli %scan3A_122, %mul3A_123 : i32
      %add3A_125 = arith.constant 0 : i32
      %add3A_126 = arith.addi %add3A_125, %mul3A_124 : i32
      %add3A_127 = arith.addi %mul3A_2, %add3A_126 : i32
      %add3A_128 = arith.constant 0 : i32
      %add3A_129 = arith.addi %add3A_127, %add3A_128 : i32
      %jit3A_130 = arith.constant 32 : i32
      %div3A_131 = arith.divsi %add3A_129, %jit3A_130 : i32
      %sign3A_132 = arith.constant 0 : i32
      %sign3A_133 = arith.cmpi sgt, %add3A_129, %sign3A_132 : i32
      %sign3A_134 = arith.extui %sign3A_133 : i1 to i32
      %sign3A_135 = arith.constant 0 : i32
      %sign3A_136 = arith.cmpi slt, %add3A_129, %sign3A_135 : i32
      %sign3A_137 = arith.extui %sign3A_136 : i1 to i32
      %sign3A_138 = arith.subi %sign3A_134, %sign3A_137 : i32
      %sign3A_139 = arith.constant 0 : i32
      %sign3A_140 = arith.cmpi sgt, %jit3A_130, %sign3A_139 : i32
      %sign3A_141 = arith.extui %sign3A_140 : i1 to i32
      %sign3A_142 = arith.constant 0 : i32
      %sign3A_143 = arith.cmpi slt, %jit3A_130, %sign3A_142 : i32
      %sign3A_144 = arith.extui %sign3A_143 : i1 to i32
      %sign3A_145 = arith.subi %sign3A_141, %sign3A_144 : i32
      %ne3A_146 = arith.cmpi ne, %sign3A_138, %sign3A_145 : i32
      %rem3A_147 = arith.remsi %add3A_129, %jit3A_130 : i32
      %ne3A_148 = arith.constant 0 : i32
      %ne3A_149 = arith.cmpi ne, %rem3A_147, %ne3A_148 : i32
      %and3A_150 = arith.andi %ne3A_146, %ne3A_149 : i1
      %sub3A_151 = arith.constant 1 : i32
      %sub3A_152 = arith.subi %div3A_131, %sub3A_151 : i32
      %select_n3A_153 = arith.select %and3A_150, %sub3A_152, %div3A_131 : i32
      %jit3A_154 = arith.constant 32 : i32
      %eq3A_155 = arith.constant 0 : i32
      %eq3A_156 = arith.cmpi eq, %jit3A_154, %eq3A_155 : i32
      %jit3A_157 = arith.constant 1 : i32
      %select_n3A_158 = arith.select %eq3A_156, %jit3A_157, %jit3A_154 : i32
      %rem3A_159 = arith.remsi %add3A_129, %select_n3A_158 : i32
      %ne3A_160 = arith.constant 0 : i32
      %ne3A_161 = arith.cmpi ne, %rem3A_159, %ne3A_160 : i32
      %lt3A_162 = arith.constant 0 : i32
      %lt3A_163 = arith.cmpi slt, %rem3A_159, %lt3A_162 : i32
      %lt3A_164 = arith.constant 0 : i32
      %lt3A_165 = arith.cmpi slt, %select_n3A_158, %lt3A_164 : i32
      %ne3A_166 = arith.xori %lt3A_163, %lt3A_165 : i1
      %and3A_167 = arith.andi %ne3A_166, %ne3A_161 : i1
      %add3A_168 = arith.addi %rem3A_159, %select_n3A_158 : i32
      %select_n3A_169 = arith.select %and3A_167, %add3A_168, %rem3A_159 : i32
      %mul3A_170 = arith.constant 512 : i32
      %mul3A_171 = arith.muli %select_n3A_169, %mul3A_170 : i32
      %ne3A_172 = arith.constant 0 : i32
      %ne3A_173 = arith.cmpi ne, %add3A_126, %ne3A_172 : i32
      %convert_element_type3A = arith.extui %ne3A_173 : i1 to i32
      %cond3A = arith.constant 0 : i32
      %cond3A_174 = arith.cmpi ne, %convert_element_type3A, %cond3A : i32
      scf.if %cond3A_174 {
        %dma_wait3A_1110 = arith.constant 0 : i32
        %dma_wait3A_1111 = arith.constant 0 : i32
        %dma_wait3A_1112 = arith.constant 0 : i32
        %dma_wait3A_1113 = tpu.memref_slice %arg7[%dma_wait3A_1110, %dma_wait3A_1111, %dma_wait3A_1112] : memref<2x512x32xf32, #tpu.memory_space<vmem>> -> memref<1x512x32xf32, #tpu.memory_space<vmem>>
        %dma_wait3A_1114 = tpu.memref_squeeze %dma_wait3A_1113 : memref<1x512x32xf32, #tpu.memory_space<vmem>> -> memref<512x32xf32, #tpu.memory_space<vmem>>
        %dma_wait3A_1115 = arith.constant 0 : i32
        %dma_wait3A_1116 = tpu.memref_slice %arg4[%select_n3A_153, %mul3A_171, %dma_wait3A_1115] : memref<26x16384x32xf32, #tpu.memory_space<hbm>> -> memref<1x512x32xf32, #tpu.memory_space<hbm>>
        %dma_wait3A_1117 = tpu.memref_squeeze %dma_wait3A_1116 : memref<1x512x32xf32, #tpu.memory_space<hbm>> -> memref<512x32xf32, #tpu.memory_space<hbm>>
        %dma_wait3A_1118 = arith.constant 0 : i32
        %dma_wait3A_1119 = tpu.memref_slice %arg4[%select_n3A_153, %mul3A_171, %dma_wait3A_1118] : memref<26x16384x32xf32, #tpu.memory_space<hbm>> -> memref<1x512x32xf32, #tpu.memory_space<hbm>>
        %dma_wait3A_1120 = tpu.memref_squeeze %dma_wait3A_1119 : memref<1x512x32xf32, #tpu.memory_space<hbm>> -> memref<512x32xf32, #tpu.memory_space<hbm>>
        %dma_wait3A_1121 = arith.constant 0 : i32
        %dma_wait3A_1122 = arith.constant 0 : i32
        %dma_wait3A_1123 = tpu.memref_slice %arg7[%dma_wait3A_1110, %dma_wait3A_1121, %dma_wait3A_1122] : memref<2x512x32xf32, #tpu.memory_space<vmem>> -> memref<1x512x32xf32, #tpu.memory_space<vmem>>
        %dma_wait3A_1124 = tpu.memref_squeeze %dma_wait3A_1123 : memref<1x512x32xf32, #tpu.memory_space<vmem>> -> memref<512x32xf32, #tpu.memory_space<vmem>>
        tpu.wait_dma2 semaphore(%arg10 : memref<!tpu.dma_semaphore, #tpu.memory_space<semaphore_mem>>) src(%dma_wait3A_1124 : memref<512x32xf32, #tpu.memory_space<vmem>>) dst(%dma_wait3A_1120 : memref<512x32xf32, #tpu.memory_space<hbm>>)
      } else {
      }
      %run_scoped3A = arith.constant 0 : i32
      "tpu.region"() ({
        %run_scoped3A_1110 = tpu.sem_alloc : memref<!tpu.dma_semaphore, #tpu.memory_space<semaphore_mem>>
        %dma_start3A_1111 = arith.constant 0 : i32
        %dma_start3A_1112 = tpu.memref_slice %arg5[%run_scoped3A, %dma_start3A_1111] : memref<2x512xf32, #tpu.memory_space<vmem>> -> memref<1x512xf32, #tpu.memory_space<vmem>>
        %dma_start3A_1113 = tpu.memref_squeeze %dma_start3A_1112 : memref<1x512xf32, #tpu.memory_space<vmem>> -> memref<512xf32, #tpu.memory_space<vmem>>
        %dma_start3A_1114 = tpu.memref_slice %arg3[%select_n3A_153, %mul3A_171] : memref<26x16384xf32, #tpu.memory_space<hbm>> -> memref<1x512xf32, #tpu.memory_space<hbm>>
        %dma_start3A_1115 = tpu.memref_squeeze %dma_start3A_1114 : memref<1x512xf32, #tpu.memory_space<hbm>> -> memref<512xf32, #tpu.memory_space<hbm>>
        %dma_start3A_1116 = arith.constant 0 : i32
        %dma_start3A_1117 = tpu.memref_slice %arg5[%run_scoped3A, %dma_start3A_1116] : memref<2x512xf32, #tpu.memory_space<vmem>> -> memref<1x512xf32, #tpu.memory_space<vmem>>
        %dma_start3A_1118 = tpu.memref_squeeze %dma_start3A_1117 : memref<1x512xf32, #tpu.memory_space<vmem>> -> memref<512xf32, #tpu.memory_space<vmem>>
        %dma_start3A_1119 = tpu.memref_slice %arg3[%select_n3A_153, %mul3A_171] : memref<26x16384xf32, #tpu.memory_space<hbm>> -> memref<1x512xf32, #tpu.memory_space<hbm>>
        %dma_start3A_1120 = tpu.memref_squeeze %dma_start3A_1119 : memref<1x512xf32, #tpu.memory_space<hbm>> -> memref<512xf32, #tpu.memory_space<hbm>>
        tpu.enqueue_dma source(%dma_start3A_1120 : memref<512xf32, #tpu.memory_space<hbm>>) target(%dma_start3A_1118 : memref<512xf32, #tpu.memory_space<vmem>>) target_semaphore(%run_scoped3A_1110 : memref<!tpu.dma_semaphore, #tpu.memory_space<semaphore_mem>>)
        %dma_wait3A_1121 = arith.constant 0 : i32
        %dma_wait3A_1122 = tpu.memref_slice %arg5[%run_scoped3A, %dma_wait3A_1121] : memref<2x512xf32, #tpu.memory_space<vmem>> -> memref<1x512xf32, #tpu.memory_space<vmem>>
        %dma_wait3A_1123 = tpu.memref_squeeze %dma_wait3A_1122 : memref<1x512xf32, #tpu.memory_space<vmem>> -> memref<512xf32, #tpu.memory_space<vmem>>
        %dma_wait3A_1124 = tpu.memref_slice %arg3[%select_n3A_153, %mul3A_171] : memref<26x16384xf32, #tpu.memory_space<hbm>> -> memref<1x512xf32, #tpu.memory_space<hbm>>
        %dma_wait3A_1125 = tpu.memref_squeeze %dma_wait3A_1124 : memref<1x512xf32, #tpu.memory_space<hbm>> -> memref<512xf32, #tpu.memory_space<hbm>>
        %dma_wait3A_1126 = arith.constant 0 : i32
        %dma_wait3A_1127 = tpu.memref_slice %arg5[%run_scoped3A, %dma_wait3A_1126] : memref<2x512xf32, #tpu.memory_space<vmem>> -> memref<1x512xf32, #tpu.memory_space<vmem>>
        %dma_wait3A_1128 = tpu.memref_squeeze %dma_wait3A_1127 : memref<1x512xf32, #tpu.memory_space<vmem>> -> memref<512xf32, #tpu.memory_space<vmem>>
        %dma_wait3A_1129 = tpu.memref_slice %arg3[%select_n3A_153, %mul3A_171] : memref<26x16384xf32, #tpu.memory_space<hbm>> -> memref<1x512xf32, #tpu.memory_space<hbm>>
        %dma_wait3A_1130 = tpu.memref_squeeze %dma_wait3A_1129 : memref<1x512xf32, #tpu.memory_space<hbm>> -> memref<512xf32, #tpu.memory_space<hbm>>
        tpu.wait_dma2 semaphore(%run_scoped3A_1110 : memref<!tpu.dma_semaphore, #tpu.memory_space<semaphore_mem>>) src(%dma_wait3A_1130 : memref<512xf32, #tpu.memory_space<hbm>>) dst(%dma_wait3A_1128 : memref<512xf32, #tpu.memory_space<vmem>>)
        tpu.yield
      }) : () -> ()
      %get3A = arith.constant 0 : i32
      %get3A_175 = arith.index_cast %get3A : i32 to index
      %get3A_176 = arith.constant 0 : index
      %get3A_177 = tpu.vector_load %arg5[%get3A_175, %get3A_176] {strides = array<i32>} : memref<2x512xf32, #tpu.memory_space<vmem>>, vector<16xf32>,
      %bitcast3A = vector.bitcast %get3A_177 : vector<16xf32> to vector<16xi32>
      %swap3A = arith.constant 0 : i32
      %swap3A_178 = arith.index_cast %swap3A : i32 to index
      %swap3A_179 = arith.constant 0 : index
      %swap3A_180 = tpu.vector_load %arg6[%swap3A_178, %swap3A_179] {strides = array<i32>} : memref<2x512xi32, #tpu.memory_space<vmem>>, vector<16xi32>,
      tpu.vector_store %arg6[%swap3A_178, %swap3A_179], %bitcast3A {strides = array<i32>} : memref<2x512xi32, #tpu.memory_space<vmem>>, vector<16xi32>,
      %get3A_181 = arith.constant 0 : i32
      %get3A_182 = arith.index_cast %get3A_181 : i32 to index
      %get3A_183 = arith.constant 16 : index
      %get3A_184 = tpu.vector_load %arg5[%get3A_182, %get3A_183] {strides = array<i32>} : memref<2x512xf32, #tpu.memory_space<vmem>>, vector<16xf32>,
      %bitcast3A_185 = vector.bitcast %get3A_184 : vector<16xf32> to vector<16xi32>
      %swap3A_186 = arith.constant 0 : i32
      %swap3A_187 = arith.index_cast %swap3A_186 : i32 to index
      %swap3A_188 = arith.constant 16 : index
      %swap3A_189 = tpu.vector_load %arg6[%swap3A_187, %swap3A_188] {strides = array<i32>} : memref<2x512xi32, #tpu.memory_space<vmem>>, vector<16xi32>,
      tpu.vector_store %arg6[%swap3A_187, %swap3A_188], %bitcast3A_185 {strides = array<i32>} : memref<2x512xi32, #tpu.memory_space<vmem>>, vector<16xi32>,
      %get3A_190 = arith.constant 0 : i32
      %get3A_191 = arith.index_cast %get3A_190 : i32 to index
      %get3A_192 = arith.constant 32 : index
      %get3A_193 = tpu.vector_load %arg5[%get3A_191, %get3A_192] {strides = array<i32>} : memref<2x512xf32, #tpu.memory_space<vmem>>, vector<16xf32>,
      %bitcast3A_194 = vector.bitcast %get3A_193 : vector<16xf32> to vector<16xi32>
      %swap3A_195 = arith.constant 0 : i32
      %swap3A_196 = arith.index_cast %swap3A_195 : i32 to index
      %swap3A_197 = arith.constant 32 : index
      %swap3A_198 = tpu.vector_load %arg6[%swap3A_196, %swap3A_197] {strides = array<i32>} : memref<2x512xi32, #tpu.memory_space<vmem>>, vector<16xi32>,
      tpu.vector_store %arg6[%swap3A_196, %swap3A_197], %bitcast3A_194 {strides = array<i32>} : memref<2x512xi32, #tpu.memory_space<vmem>>, vector<16xi32>,
      %get3A_199 = arith.constant 0 : i32
      %get3A_200 = arith.index_cast %get3A_199 : i32 to index
      %get3A_201 = arith.constant 48 : index
      %get3A_202 = tpu.vector_load %arg5[%get3A_200, %get3A_201] {strides = array<i32>} : memref<2x512xf32, #tpu.memory_space<vmem>>, vector<16xf32>,
      %bitcast3A_203 = vector.bitcast %get3A_202 : vector<16xf32> to vector<16xi32>
      %swap3A_204 = arith.constant 0 : i32
      %swap3A_205 = arith.index_cast %swap3A_204 : i32 to index
      %swap3A_206 = arith.constant 48 : index
      %swap3A_207 = tpu.vector_load %arg6[%swap3A_205, %swap3A_206] {strides = array<i32>} : memref<2x512xi32, #tpu.memory_space<vmem>>, vector<16xi32>,
      tpu.vector_store %arg6[%swap3A_205, %swap3A_206], %bitcast3A_203 {strides = array<i32>} : memref<2x512xi32, #tpu.memory_space<vmem>>, vector<16xi32>,
      %get3A_208 = arith.constant 0 : i32
      %get3A_209 = arith.index_cast %get3A_208 : i32 to index
      %get3A_210 = arith.constant 64 : index
      %get3A_211 = tpu.vector_load %arg5[%get3A_209, %get3A_210] {strides = array<i32>} : memref<2x512xf32, #tpu.memory_space<vmem>>, vector<16xf32>,
      %bitcast3A_212 = vector.bitcast %get3A_211 : vector<16xf32> to vector<16xi32>
      %swap3A_213 = arith.constant 0 : i32
      %swap3A_214 = arith.index_cast %swap3A_213 : i32 to index
      %swap3A_215 = arith.constant 64 : index
      %swap3A_216 = tpu.vector_load %arg6[%swap3A_214, %swap3A_215] {strides = array<i32>} : memref<2x512xi32, #tpu.memory_space<vmem>>, vector<16xi32>,
      tpu.vector_store %arg6[%swap3A_214, %swap3A_215], %bitcast3A_212 {strides = array<i32>} : memref<2x512xi32, #tpu.memory_space<vmem>>, vector<16xi32>,
      %get3A_217 = arith.constant 0 : i32
      %get3A_218 = arith.index_cast %get3A_217 : i32 to index
      %get3A_219 = arith.constant 80 : index
      %get3A_220 = tpu.vector_load %arg5[%get3A_218, %get3A_219] {strides = array<i32>} : memref<2x512xf32, #tpu.memory_space<vmem>>, vector<16xf32>,
      %bitcast3A_221 = vector.bitcast %get3A_220 : vector<16xf32> to vector<16xi32>
      %swap3A_222 = arith.constant 0 : i32
      %swap3A_223 = arith.index_cast %swap3A_222 : i32 to index
      %swap3A_224 = arith.constant 80 : index
      %swap3A_225 = tpu.vector_load %arg6[%swap3A_223, %swap3A_224] {strides = array<i32>} : memref<2x512xi32, #tpu.memory_space<vmem>>, vector<16xi32>,
      tpu.vector_store %arg6[%swap3A_223, %swap3A_224], %bitcast3A_221 {strides = array<i32>} : memref<2x512xi32, #tpu.memory_space<vmem>>, vector<16xi32>,
      %get3A_226 = arith.constant 0 : i32
      %get3A_227 = arith.index_cast %get3A_226 : i32 to index
      %get3A_228 = arith.constant 96 : index
      %get3A_229 = tpu.vector_load %arg5[%get3A_227, %get3A_228] {strides = array<i32>} : memref<2x512xf32, #tpu.memory_space<vmem>>, vector<16xf32>,
      %bitcast3A_230 = vector.bitcast %get3A_229 : vector<16xf32> to vector<16xi32>
      %swap3A_231 = arith.constant 0 : i32
      %swap3A_232 = arith.index_cast %swap3A_231 : i32 to index
      %swap3A_233 = arith.constant 96 : index
      %swap3A_234 = tpu.vector_load %arg6[%swap3A_232, %swap3A_233] {strides = array<i32>} : memref<2x512xi32, #tpu.memory_space<vmem>>, vector<16xi32>,
      tpu.vector_store %arg6[%swap3A_232, %swap3A_233], %bitcast3A_230 {strides = array<i32>} : memref<2x512xi32, #tpu.memory_space<vmem>>, vector<16xi32>,
      %get3A_235 = arith.constant 0 : i32
      %get3A_236 = arith.index_cast %get3A_235 : i32 to index
      %get3A_237 = arith.constant 112 : index
      %get3A_238 = tpu.vector_load %arg5[%get3A_236, %get3A_237] {strides = array<i32>} : memref<2x512xf32, #tpu.memory_space<vmem>>, vector<16xf32>,
      %bitcast3A_239 = vector.bitcast %get3A_238 : vector<16xf32> to vector<16xi32>
      %swap3A_240 = arith.constant 0 : i32
      %swap3A_241 = arith.index_cast %swap3A_240 : i32 to index
      %swap3A_242 = arith.constant 112 : index
      %swap3A_243 = tpu.vector_load %arg6[%swap3A_241, %swap3A_242] {strides = array<i32>} : memref<2x512xi32, #tpu.memory_space<vmem>>, vector<16xi32>,
      tpu.vector_store %arg6[%swap3A_241, %swap3A_242], %bitcast3A_239 {strides = array<i32>} : memref<2x512xi32, #tpu.memory_space<vmem>>, vector<16xi32>,
      %get3A_244 = arith.constant 0 : i32
      %get3A_245 = arith.index_cast %get3A_244 : i32 to index
      %get3A_246 = arith.constant 128 : index
      %get3A_247 = tpu.vector_load %arg5[%get3A_245, %get3A_246] {strides = array<i32>} : memref<2x512xf32, #tpu.memory_space<vmem>>, vector<16xf32>,
      %bitcast3A_248 = vector.bitcast %get3A_247 : vector<16xf32> to vector<16xi32>
      %swap3A_249 = arith.constant 0 : i32
      %swap3A_250 = arith.index_cast %swap3A_249 : i32 to index
      %swap3A_251 = arith.constant 128 : index
      %swap3A_252 = tpu.vector_load %arg6[%swap3A_250, %swap3A_251] {strides = array<i32>} : memref<2x512xi32, #tpu.memory_space<vmem>>, vector<16xi32>,
      tpu.vector_store %arg6[%swap3A_250, %swap3A_251], %bitcast3A_248 {strides = array<i32>} : memref<2x512xi32, #tpu.memory_space<vmem>>, vector<16xi32>,
      %get3A_253 = arith.constant 0 : i32
      %get3A_254 = arith.index_cast %get3A_253 : i32 to index
      %get3A_255 = arith.constant 144 : index
      %get3A_256 = tpu.vector_load %arg5[%get3A_254, %get3A_255] {strides = array<i32>} : memref<2x512xf32, #tpu.memory_space<vmem>>, vector<16xf32>,
      %bitcast3A_257 = vector.bitcast %get3A_256 : vector<16xf32> to vector<16xi32>
      %swap3A_258 = arith.constant 0 : i32
      %swap3A_259 = arith.index_cast %swap3A_258 : i32 to index
      %swap3A_260 = arith.constant 144 : index
      %swap3A_261 = tpu.vector_load %arg6[%swap3A_259, %swap3A_260] {strides = array<i32>} : memref<2x512xi32, #tpu.memory_space<vmem>>, vector<16xi32>,
      tpu.vector_store %arg6[%swap3A_259, %swap3A_260], %bitcast3A_257 {strides = array<i32>} : memref<2x512xi32, #tpu.memory_space<vmem>>, vector<16xi32>,
      %get3A_262 = arith.constant 0 : i32
      %get3A_263 = arith.index_cast %get3A_262 : i32 to index
      %get3A_264 = arith.constant 160 : index
      %get3A_265 = tpu.vector_load %arg5[%get3A_263, %get3A_264] {strides = array<i32>} : memref<2x512xf32, #tpu.memory_space<vmem>>, vector<16xf32>,
      %bitcast3A_266 = vector.bitcast %get3A_265 : vector<16xf32> to vector<16xi32>
      %swap3A_267 = arith.constant 0 : i32
      %swap3A_268 = arith.index_cast %swap3A_267 : i32 to index
      %swap3A_269 = arith.constant 160 : index
      %swap3A_270 = tpu.vector_load %arg6[%swap3A_268, %swap3A_269] {strides = array<i32>} : memref<2x512xi32, #tpu.memory_space<vmem>>, vector<16xi32>,
      tpu.vector_store %arg6[%swap3A_268, %swap3A_269], %bitcast3A_266 {strides = array<i32>} : memref<2x512xi32, #tpu.memory_space<vmem>>, vector<16xi32>,
      %get3A_271 = arith.constant 0 : i32
      %get3A_272 = arith.index_cast %get3A_271 : i32 to index
      %get3A_273 = arith.constant 176 : index
      %get3A_274 = tpu.vector_load %arg5[%get3A_272, %get3A_273] {strides = array<i32>} : memref<2x512xf32, #tpu.memory_space<vmem>>, vector<16xf32>,
      %bitcast3A_275 = vector.bitcast %get3A_274 : vector<16xf32> to vector<16xi32>
      %swap3A_276 = arith.constant 0 : i32
      %swap3A_277 = arith.index_cast %swap3A_276 : i32 to index
      %swap3A_278 = arith.constant 176 : index
      %swap3A_279 = tpu.vector_load %arg6[%swap3A_277, %swap3A_278] {strides = array<i32>} : memref<2x512xi32, #tpu.memory_space<vmem>>, vector<16xi32>,
      tpu.vector_store %arg6[%swap3A_277, %swap3A_278], %bitcast3A_275 {strides = array<i32>} : memref<2x512xi32, #tpu.memory_space<vmem>>, vector<16xi32>,
      %get3A_280 = arith.constant 0 : i32
      %get3A_281 = arith.index_cast %get3A_280 : i32 to index
      %get3A_282 = arith.constant 192 : index
      %get3A_283 = tpu.vector_load %arg5[%get3A_281, %get3A_282] {strides = array<i32>} : memref<2x512xf32, #tpu.memory_space<vmem>>, vector<16xf32>,
      %bitcast3A_284 = vector.bitcast %get3A_283 : vector<16xf32> to vector<16xi32>
      %swap3A_285 = arith.constant 0 : i32
      %swap3A_286 = arith.index_cast %swap3A_285 : i32 to index
      %swap3A_287 = arith.constant 192 : index
      %swap3A_288 = tpu.vector_load %arg6[%swap3A_286, %swap3A_287] {strides = array<i32>} : memref<2x512xi32, #tpu.memory_space<vmem>>, vector<16xi32>,
      tpu.vector_store %arg6[%swap3A_286, %swap3A_287], %bitcast3A_284 {strides = array<i32>} : memref<2x512xi32, #tpu.memory_space<vmem>>, vector<16xi32>,
      %get3A_289 = arith.constant 0 : i32
      %get3A_290 = arith.index_cast %get3A_289 : i32 to index
      %get3A_291 = arith.constant 208 : index
      %get3A_292 = tpu.vector_load %arg5[%get3A_290, %get3A_291] {strides = array<i32>} : memref<2x512xf32, #tpu.memory_space<vmem>>, vector<16xf32>,
      %bitcast3A_293 = vector.bitcast %get3A_292 : vector<16xf32> to vector<16xi32>
      %swap3A_294 = arith.constant 0 : i32
      %swap3A_295 = arith.index_cast %swap3A_294 : i32 to index
      %swap3A_296 = arith.constant 208 : index
      %swap3A_297 = tpu.vector_load %arg6[%swap3A_295, %swap3A_296] {strides = array<i32>} : memref<2x512xi32, #tpu.memory_space<vmem>>, vector<16xi32>,
      tpu.vector_store %arg6[%swap3A_295, %swap3A_296], %bitcast3A_293 {strides = array<i32>} : memref<2x512xi32, #tpu.memory_space<vmem>>, vector<16xi32>,
      %get3A_298 = arith.constant 0 : i32
      %get3A_299 = arith.index_cast %get3A_298 : i32 to index
      %get3A_300 = arith.constant 224 : index
      %get3A_301 = tpu.vector_load %arg5[%get3A_299, %get3A_300] {strides = array<i32>} : memref<2x512xf32, #tpu.memory_space<vmem>>, vector<16xf32>,
      %bitcast3A_302 = vector.bitcast %get3A_301 : vector<16xf32> to vector<16xi32>
      %swap3A_303 = arith.constant 0 : i32
      %swap3A_304 = arith.index_cast %swap3A_303 : i32 to index
      %swap3A_305 = arith.constant 224 : index
      %swap3A_306 = tpu.vector_load %arg6[%swap3A_304, %swap3A_305] {strides = array<i32>} : memref<2x512xi32, #tpu.memory_space<vmem>>, vector<16xi32>,
      tpu.vector_store %arg6[%swap3A_304, %swap3A_305], %bitcast3A_302 {strides = array<i32>} : memref<2x512xi32, #tpu.memory_space<vmem>>, vector<16xi32>,
      %get3A_307 = arith.constant 0 : i32
      %get3A_308 = arith.index_cast %get3A_307 : i32 to index
      %get3A_309 = arith.constant 240 : index
      %get3A_310 = tpu.vector_load %arg5[%get3A_308, %get3A_309] {strides = array<i32>} : memref<2x512xf32, #tpu.memory_space<vmem>>, vector<16xf32>,
      %bitcast3A_311 = vector.bitcast %get3A_310 : vector<16xf32> to vector<16xi32>
      %swap3A_312 = arith.constant 0 : i32
      %swap3A_313 = arith.index_cast %swap3A_312 : i32 to index
      %swap3A_314 = arith.constant 240 : index
      %swap3A_315 = tpu.vector_load %arg6[%swap3A_313, %swap3A_314] {strides = array<i32>} : memref<2x512xi32, #tpu.memory_space<vmem>>, vector<16xi32>,
      tpu.vector_store %arg6[%swap3A_313, %swap3A_314], %bitcast3A_311 {strides = array<i32>} : memref<2x512xi32, #tpu.memory_space<vmem>>, vector<16xi32>,
      %get3A_316 = arith.constant 0 : i32
      %get3A_317 = arith.index_cast %get3A_316 : i32 to index
      %get3A_318 = arith.constant 256 : index
      %get3A_319 = tpu.vector_load %arg5[%get3A_317, %get3A_318] {strides = array<i32>} : memref<2x512xf32, #tpu.memory_space<vmem>>, vector<16xf32>,
      %bitcast3A_320 = vector.bitcast %get3A_319 : vector<16xf32> to vector<16xi32>
      %swap3A_321 = arith.constant 0 : i32
      %swap3A_322 = arith.index_cast %swap3A_321 : i32 to index
      %swap3A_323 = arith.constant 256 : index
      %swap3A_324 = tpu.vector_load %arg6[%swap3A_322, %swap3A_323] {strides = array<i32>} : memref<2x512xi32, #tpu.memory_space<vmem>>, vector<16xi32>,
      tpu.vector_store %arg6[%swap3A_322, %swap3A_323], %bitcast3A_320 {strides = array<i32>} : memref<2x512xi32, #tpu.memory_space<vmem>>, vector<16xi32>,
      %get3A_325 = arith.constant 0 : i32
      %get3A_326 = arith.index_cast %get3A_325 : i32 to index
      %get3A_327 = arith.constant 272 : index
      %get3A_328 = tpu.vector_load %arg5[%get3A_326, %get3A_327] {strides = array<i32>} : memref<2x512xf32, #tpu.memory_space<vmem>>, vector<16xf32>,
      %bitcast3A_329 = vector.bitcast %get3A_328 : vector<16xf32> to vector<16xi32>
      %swap3A_330 = arith.constant 0 : i32
      %swap3A_331 = arith.index_cast %swap3A_330 : i32 to index
      %swap3A_332 = arith.constant 272 : index
      %swap3A_333 = tpu.vector_load %arg6[%swap3A_331, %swap3A_332] {strides = array<i32>} : memref<2x512xi32, #tpu.memory_space<vmem>>, vector<16xi32>,
      tpu.vector_store %arg6[%swap3A_331, %swap3A_332], %bitcast3A_329 {strides = array<i32>} : memref<2x512xi32, #tpu.memory_space<vmem>>, vector<16xi32>,
      %get3A_334 = arith.constant 0 : i32
      %get3A_335 = arith.index_cast %get3A_334 : i32 to index
      %get3A_336 = arith.constant 288 : index
      %get3A_337 = tpu.vector_load %arg5[%get3A_335, %get3A_336] {strides = array<i32>} : memref<2x512xf32, #tpu.memory_space<vmem>>, vector<16xf32>,
      %bitcast3A_338 = vector.bitcast %get3A_337 : vector<16xf32> to vector<16xi32>
      %swap3A_339 = arith.constant 0 : i32
      %swap3A_340 = arith.index_cast %swap3A_339 : i32 to index
      %swap3A_341 = arith.constant 288 : index
      %swap3A_342 = tpu.vector_load %arg6[%swap3A_340, %swap3A_341] {strides = array<i32>} : memref<2x512xi32, #tpu.memory_space<vmem>>, vector<16xi32>,
      tpu.vector_store %arg6[%swap3A_340, %swap3A_341], %bitcast3A_338 {strides = array<i32>} : memref<2x512xi32, #tpu.memory_space<vmem>>, vector<16xi32>,
      %get3A_343 = arith.constant 0 : i32
      %get3A_344 = arith.index_cast %get3A_343 : i32 to index
      %get3A_345 = arith.constant 304 : index
      %get3A_346 = tpu.vector_load %arg5[%get3A_344, %get3A_345] {strides = array<i32>} : memref<2x512xf32, #tpu.memory_space<vmem>>, vector<16xf32>,
      %bitcast3A_347 = vector.bitcast %get3A_346 : vector<16xf32> to vector<16xi32>
      %swap3A_348 = arith.constant 0 : i32
      %swap3A_349 = arith.index_cast %swap3A_348 : i32 to index
      %swap3A_350 = arith.constant 304 : index
      %swap3A_351 = tpu.vector_load %arg6[%swap3A_349, %swap3A_350] {strides = array<i32>} : memref<2x512xi32, #tpu.memory_space<vmem>>, vector<16xi32>,
      tpu.vector_store %arg6[%swap3A_349, %swap3A_350], %bitcast3A_347 {strides = array<i32>} : memref<2x512xi32, #tpu.memory_space<vmem>>, vector<16xi32>,
      %get3A_352 = arith.constant 0 : i32
      %get3A_353 = arith.index_cast %get3A_352 : i32 to index
      %get3A_354 = arith.constant 320 : index
      %get3A_355 = tpu.vector_load %arg5[%get3A_353, %get3A_354] {strides = array<i32>} : memref<2x512xf32, #tpu.memory_space<vmem>>, vector<16xf32>,
      %bitcast3A_356 = vector.bitcast %get3A_355 : vector<16xf32> to vector<16xi32>
      %swap3A_357 = arith.constant 0 : i32
      %swap3A_358 = arith.index_cast %swap3A_357 : i32 to index
      %swap3A_359 = arith.constant 320 : index
      %swap3A_360 = tpu.vector_load %arg6[%swap3A_358, %swap3A_359] {strides = array<i32>} : memref<2x512xi32, #tpu.memory_space<vmem>>, vector<16xi32>,
      tpu.vector_store %arg6[%swap3A_358, %swap3A_359], %bitcast3A_356 {strides = array<i32>} : memref<2x512xi32, #tpu.memory_space<vmem>>, vector<16xi32>,
      %get3A_361 = arith.constant 0 : i32
      %get3A_362 = arith.index_cast %get3A_361 : i32 to index
      %get3A_363 = arith.constant 336 : index
      %get3A_364 = tpu.vector_load %arg5[%get3A_362, %get3A_363] {strides = array<i32>} : memref<2x512xf32, #tpu.memory_space<vmem>>, vector<16xf32>,
      %bitcast3A_365 = vector.bitcast %get3A_364 : vector<16xf32> to vector<16xi32>
      %swap3A_366 = arith.constant 0 : i32
      %swap3A_367 = arith.index_cast %swap3A_366 : i32 to index
      %swap3A_368 = arith.constant 336 : index
      %swap3A_369 = tpu.vector_load %arg6[%swap3A_367, %swap3A_368] {strides = array<i32>} : memref<2x512xi32, #tpu.memory_space<vmem>>, vector<16xi32>,
      tpu.vector_store %arg6[%swap3A_367, %swap3A_368], %bitcast3A_365 {strides = array<i32>} : memref<2x512xi32, #tpu.memory_space<vmem>>, vector<16xi32>,
      %get3A_370 = arith.constant 0 : i32
      %get3A_371 = arith.index_cast %get3A_370 : i32 to index
      %get3A_372 = arith.constant 352 : index
      %get3A_373 = tpu.vector_load %arg5[%get3A_371, %get3A_372] {strides = array<i32>} : memref<2x512xf32, #tpu.memory_space<vmem>>, vector<16xf32>,
      %bitcast3A_374 = vector.bitcast %get3A_373 : vector<16xf32> to vector<16xi32>
      %swap3A_375 = arith.constant 0 : i32
      %swap3A_376 = arith.index_cast %swap3A_375 : i32 to index
      %swap3A_377 = arith.constant 352 : index
      %swap3A_378 = tpu.vector_load %arg6[%swap3A_376, %swap3A_377] {strides = array<i32>} : memref<2x512xi32, #tpu.memory_space<vmem>>, vector<16xi32>,
      tpu.vector_store %arg6[%swap3A_376, %swap3A_377], %bitcast3A_374 {strides = array<i32>} : memref<2x512xi32, #tpu.memory_space<vmem>>, vector<16xi32>,
      %get3A_379 = arith.constant 0 : i32
      %get3A_380 = arith.index_cast %get3A_379 : i32 to index
      %get3A_381 = arith.constant 368 : index
      %get3A_382 = tpu.vector_load %arg5[%get3A_380, %get3A_381] {strides = array<i32>} : memref<2x512xf32, #tpu.memory_space<vmem>>, vector<16xf32>,
      %bitcast3A_383 = vector.bitcast %get3A_382 : vector<16xf32> to vector<16xi32>
      %swap3A_384 = arith.constant 0 : i32
      %swap3A_385 = arith.index_cast %swap3A_384 : i32 to index
      %swap3A_386 = arith.constant 368 : index
      %swap3A_387 = tpu.vector_load %arg6[%swap3A_385, %swap3A_386] {strides = array<i32>} : memref<2x512xi32, #tpu.memory_space<vmem>>, vector<16xi32>,
      tpu.vector_store %arg6[%swap3A_385, %swap3A_386], %bitcast3A_383 {strides = array<i32>} : memref<2x512xi32, #tpu.memory_space<vmem>>, vector<16xi32>,
      %get3A_388 = arith.constant 0 : i32
      %get3A_389 = arith.index_cast %get3A_388 : i32 to index
      %get3A_390 = arith.constant 384 : index
      %get3A_391 = tpu.vector_load %arg5[%get3A_389, %get3A_390] {strides = array<i32>} : memref<2x512xf32, #tpu.memory_space<vmem>>, vector<16xf32>,
      %bitcast3A_392 = vector.bitcast %get3A_391 : vector<16xf32> to vector<16xi32>
      %swap3A_393 = arith.constant 0 : i32
      %swap3A_394 = arith.index_cast %swap3A_393 : i32 to index
      %swap3A_395 = arith.constant 384 : index
      %swap3A_396 = tpu.vector_load %arg6[%swap3A_394, %swap3A_395] {strides = array<i32>} : memref<2x512xi32, #tpu.memory_space<vmem>>, vector<16xi32>,
      tpu.vector_store %arg6[%swap3A_394, %swap3A_395], %bitcast3A_392 {strides = array<i32>} : memref<2x512xi32, #tpu.memory_space<vmem>>, vector<16xi32>,
      %get3A_397 = arith.constant 0 : i32
      %get3A_398 = arith.index_cast %get3A_397 : i32 to index
      %get3A_399 = arith.constant 400 : index
      %get3A_400 = tpu.vector_load %arg5[%get3A_398, %get3A_399] {strides = array<i32>} : memref<2x512xf32, #tpu.memory_space<vmem>>, vector<16xf32>,
      %bitcast3A_401 = vector.bitcast %get3A_400 : vector<16xf32> to vector<16xi32>
      %swap3A_402 = arith.constant 0 : i32
      %swap3A_403 = arith.index_cast %swap3A_402 : i32 to index
      %swap3A_404 = arith.constant 400 : index
      %swap3A_405 = tpu.vector_load %arg6[%swap3A_403, %swap3A_404] {strides = array<i32>} : memref<2x512xi32, #tpu.memory_space<vmem>>, vector<16xi32>,
      tpu.vector_store %arg6[%swap3A_403, %swap3A_404], %bitcast3A_401 {strides = array<i32>} : memref<2x512xi32, #tpu.memory_space<vmem>>, vector<16xi32>,
      %get3A_406 = arith.constant 0 : i32
      %get3A_407 = arith.index_cast %get3A_406 : i32 to index
      %get3A_408 = arith.constant 416 : index
      %get3A_409 = tpu.vector_load %arg5[%get3A_407, %get3A_408] {strides = array<i32>} : memref<2x512xf32, #tpu.memory_space<vmem>>, vector<16xf32>,
      %bitcast3A_410 = vector.bitcast %get3A_409 : vector<16xf32> to vector<16xi32>
      %swap3A_411 = arith.constant 0 : i32
      %swap3A_412 = arith.index_cast %swap3A_411 : i32 to index
      %swap3A_413 = arith.constant 416 : index
      %swap3A_414 = tpu.vector_load %arg6[%swap3A_412, %swap3A_413] {strides = array<i32>} : memref<2x512xi32, #tpu.memory_space<vmem>>, vector<16xi32>,
      tpu.vector_store %arg6[%swap3A_412, %swap3A_413], %bitcast3A_410 {strides = array<i32>} : memref<2x512xi32, #tpu.memory_space<vmem>>, vector<16xi32>,
      %get3A_415 = arith.constant 0 : i32
      %get3A_416 = arith.index_cast %get3A_415 : i32 to index
      %get3A_417 = arith.constant 432 : index
      %get3A_418 = tpu.vector_load %arg5[%get3A_416, %get3A_417] {strides = array<i32>} : memref<2x512xf32, #tpu.memory_space<vmem>>, vector<16xf32>,
      %bitcast3A_419 = vector.bitcast %get3A_418 : vector<16xf32> to vector<16xi32>
      %swap3A_420 = arith.constant 0 : i32
      %swap3A_421 = arith.index_cast %swap3A_420 : i32 to index
      %swap3A_422 = arith.constant 432 : index
      %swap3A_423 = tpu.vector_load %arg6[%swap3A_421, %swap3A_422] {strides = array<i32>} : memref<2x512xi32, #tpu.memory_space<vmem>>, vector<16xi32>,
      tpu.vector_store %arg6[%swap3A_421, %swap3A_422], %bitcast3A_419 {strides = array<i32>} : memref<2x512xi32, #tpu.memory_space<vmem>>, vector<16xi32>,
      %get3A_424 = arith.constant 0 : i32
      %get3A_425 = arith.index_cast %get3A_424 : i32 to index
      %get3A_426 = arith.constant 448 : index
      %get3A_427 = tpu.vector_load %arg5[%get3A_425, %get3A_426] {strides = array<i32>} : memref<2x512xf32, #tpu.memory_space<vmem>>, vector<16xf32>,
      %bitcast3A_428 = vector.bitcast %get3A_427 : vector<16xf32> to vector<16xi32>
      %swap3A_429 = arith.constant 0 : i32
      %swap3A_430 = arith.index_cast %swap3A_429 : i32 to index
      %swap3A_431 = arith.constant 448 : index
      %swap3A_432 = tpu.vector_load %arg6[%swap3A_430, %swap3A_431] {strides = array<i32>} : memref<2x512xi32, #tpu.memory_space<vmem>>, vector<16xi32>,
      tpu.vector_store %arg6[%swap3A_430, %swap3A_431], %bitcast3A_428 {strides = array<i32>} : memref<2x512xi32, #tpu.memory_space<vmem>>, vector<16xi32>,
      %get3A_433 = arith.constant 0 : i32
      %get3A_434 = arith.index_cast %get3A_433 : i32 to index
      %get3A_435 = arith.constant 464 : index
      %get3A_436 = tpu.vector_load %arg5[%get3A_434, %get3A_435] {strides = array<i32>} : memref<2x512xf32, #tpu.memory_space<vmem>>, vector<16xf32>,
      %bitcast3A_437 = vector.bitcast %get3A_436 : vector<16xf32> to vector<16xi32>
      %swap3A_438 = arith.constant 0 : i32
      %swap3A_439 = arith.index_cast %swap3A_438 : i32 to index
      %swap3A_440 = arith.constant 464 : index
      %swap3A_441 = tpu.vector_load %arg6[%swap3A_439, %swap3A_440] {strides = array<i32>} : memref<2x512xi32, #tpu.memory_space<vmem>>, vector<16xi32>,
      tpu.vector_store %arg6[%swap3A_439, %swap3A_440], %bitcast3A_437 {strides = array<i32>} : memref<2x512xi32, #tpu.memory_space<vmem>>, vector<16xi32>,
      %get3A_442 = arith.constant 0 : i32
      %get3A_443 = arith.index_cast %get3A_442 : i32 to index
      %get3A_444 = arith.constant 480 : index
      %get3A_445 = tpu.vector_load %arg5[%get3A_443, %get3A_444] {strides = array<i32>} : memref<2x512xf32, #tpu.memory_space<vmem>>, vector<16xf32>,
      %bitcast3A_446 = vector.bitcast %get3A_445 : vector<16xf32> to vector<16xi32>
      %swap3A_447 = arith.constant 0 : i32
      %swap3A_448 = arith.index_cast %swap3A_447 : i32 to index
      %swap3A_449 = arith.constant 480 : index
      %swap3A_450 = tpu.vector_load %arg6[%swap3A_448, %swap3A_449] {strides = array<i32>} : memref<2x512xi32, #tpu.memory_space<vmem>>, vector<16xi32>,
      tpu.vector_store %arg6[%swap3A_448, %swap3A_449], %bitcast3A_446 {strides = array<i32>} : memref<2x512xi32, #tpu.memory_space<vmem>>, vector<16xi32>,
      %get3A_451 = arith.constant 0 : i32
      %get3A_452 = arith.index_cast %get3A_451 : i32 to index
      %get3A_453 = arith.constant 496 : index
      %get3A_454 = tpu.vector_load %arg5[%get3A_452, %get3A_453] {strides = array<i32>} : memref<2x512xf32, #tpu.memory_space<vmem>>, vector<16xf32>,
      %bitcast3A_455 = vector.bitcast %get3A_454 : vector<16xf32> to vector<16xi32>
      %swap3A_456 = arith.constant 0 : i32
      %swap3A_457 = arith.index_cast %swap3A_456 : i32 to index
      %swap3A_458 = arith.constant 496 : index
      %swap3A_459 = tpu.vector_load %arg6[%swap3A_457, %swap3A_458] {strides = array<i32>} : memref<2x512xi32, #tpu.memory_space<vmem>>, vector<16xi32>,
      tpu.vector_store %arg6[%swap3A_457, %swap3A_458], %bitcast3A_455 {strides = array<i32>} : memref<2x512xi32, #tpu.memory_space<vmem>>, vector<16xi32>,
      %dma_start3A = arith.constant 0 : i32
      %dma_start3A_460 = arith.constant 0 : i32
      %dma_start3A_461 = arith.constant 0 : i32
      %dma_start3A_462 = arith.constant 0 : i32
      %dma_start3A_463 = tpu.memref_slice %arg7[%dma_start3A_460, %dma_start3A_461, %dma_start3A_462] : memref<2x512x32xf32, #tpu.memory_space<vmem>> -> memref<1x128x32xf32, #tpu.memory_space<vmem>>
      %dma_start3A_464 = tpu.memref_squeeze %dma_start3A_463 : memref<1x128x32xf32, #tpu.memory_space<vmem>> -> memref<128x32xf32, #tpu.memory_space<vmem>>
      %dma_start3A_465 = arith.constant 0 : i32
      %dma_start3A_466 = tpu.memref_slice %arg6[%dma_start3A, %dma_start3A_465] : memref<2x512xi32, #tpu.memory_space<vmem>> -> memref<1x128xi32, #tpu.memory_space<vmem>>
      %dma_start3A_467 = tpu.memref_squeeze %dma_start3A_466 : memref<1x128xi32, #tpu.memory_space<vmem>> -> memref<128xi32, #tpu.memory_space<vmem>>
      %dma_start3A_468 = arith.constant 0 : i32
      %dma_start3A_469 = arith.constant 0 : i32
      %dma_start3A_470 = tpu.memref_slice %arg2[%dma_start3A_468, %dma_start3A_469] : memref<1000000x32xf32, #tpu.memory_space<hbm>> -> memref<1000000x32xf32, #tpu.memory_space<hbm>>
      tpu.enqueue_indirect_dma source(%dma_start3A_470 : memref<1000000x32xf32, #tpu.memory_space<hbm>>) target(%dma_start3A_464 : memref<128x32xf32, #tpu.memory_space<vmem>>) offsets(%dma_start3A_467 : memref<128xi32, #tpu.memory_space<vmem>>) semaphore(%arg8 : memref<!tpu.dma_semaphore, #tpu.memory_space<semaphore_mem>>)
      %dma_start3A_471 = arith.constant 0 : i32
      %dma_start3A_472 = arith.constant 0 : i32
      %dma_start3A_473 = arith.constant 128 : i32
      %dma_start3A_474 = arith.constant 0 : i32
      %dma_start3A_475 = tpu.memref_slice %arg7[%dma_start3A_472, %dma_start3A_473, %dma_start3A_474] : memref<2x512x32xf32, #tpu.memory_space<vmem>> -> memref<1x128x32xf32, #tpu.memory_space<vmem>>
      %dma_start3A_476 = tpu.memref_squeeze %dma_start3A_475 : memref<1x128x32xf32, #tpu.memory_space<vmem>> -> memref<128x32xf32, #tpu.memory_space<vmem>>
      %dma_start3A_477 = arith.constant 128 : i32
      %dma_start3A_478 = tpu.memref_slice %arg6[%dma_start3A_471, %dma_start3A_477] : memref<2x512xi32, #tpu.memory_space<vmem>> -> memref<1x128xi32, #tpu.memory_space<vmem>>
      %dma_start3A_479 = tpu.memref_squeeze %dma_start3A_478 : memref<1x128xi32, #tpu.memory_space<vmem>> -> memref<128xi32, #tpu.memory_space<vmem>>
      %dma_start3A_480 = arith.constant 0 : i32
      %dma_start3A_481 = arith.constant 0 : i32
      %dma_start3A_482 = tpu.memref_slice %arg2[%dma_start3A_480, %dma_start3A_481] : memref<1000000x32xf32, #tpu.memory_space<hbm>> -> memref<1000000x32xf32, #tpu.memory_space<hbm>>
      tpu.enqueue_indirect_dma source(%dma_start3A_482 : memref<1000000x32xf32, #tpu.memory_space<hbm>>) target(%dma_start3A_476 : memref<128x32xf32, #tpu.memory_space<vmem>>) offsets(%dma_start3A_479 : memref<128xi32, #tpu.memory_space<vmem>>) semaphore(%arg8 : memref<!tpu.dma_semaphore, #tpu.memory_space<semaphore_mem>>)
      %dma_start3A_483 = arith.constant 0 : i32
      %dma_start3A_484 = arith.constant 0 : i32
      %dma_start3A_485 = arith.constant 256 : i32
      %dma_start3A_486 = arith.constant 0 : i32
      %dma_start3A_487 = tpu.memref_slice %arg7[%dma_start3A_484, %dma_start3A_485, %dma_start3A_486] : memref<2x512x32xf32, #tpu.memory_space<vmem>> -> memref<1x128x32xf32, #tpu.memory_space<vmem>>
      %dma_start3A_488 = tpu.memref_squeeze %dma_start3A_487 : memref<1x128x32xf32, #tpu.memory_space<vmem>> -> memref<128x32xf32, #tpu.memory_space<vmem>>
      %dma_start3A_489 = arith.constant 256 : i32
      %dma_start3A_490 = tpu.memref_slice %arg6[%dma_start3A_483, %dma_start3A_489] : memref<2x512xi32, #tpu.memory_space<vmem>> -> memref<1x128xi32, #tpu.memory_space<vmem>>
      %dma_start3A_491 = tpu.memref_squeeze %dma_start3A_490 : memref<1x128xi32, #tpu.memory_space<vmem>> -> memref<128xi32, #tpu.memory_space<vmem>>
      %dma_start3A_492 = arith.constant 0 : i32
      %dma_start3A_493 = arith.constant 0 : i32
      %dma_start3A_494 = tpu.memref_slice %arg2[%dma_start3A_492, %dma_start3A_493] : memref<1000000x32xf32, #tpu.memory_space<hbm>> -> memref<1000000x32xf32, #tpu.memory_space<hbm>>
      tpu.enqueue_indirect_dma source(%dma_start3A_494 : memref<1000000x32xf32, #tpu.memory_space<hbm>>) target(%dma_start3A_488 : memref<128x32xf32, #tpu.memory_space<vmem>>) offsets(%dma_start3A_491 : memref<128xi32, #tpu.memory_space<vmem>>) semaphore(%arg8 : memref<!tpu.dma_semaphore, #tpu.memory_space<semaphore_mem>>)
      %dma_start3A_495 = arith.constant 0 : i32
      %dma_start3A_496 = arith.constant 0 : i32
      %dma_start3A_497 = arith.constant 384 : i32
      %dma_start3A_498 = arith.constant 0 : i32
      %dma_start3A_499 = tpu.memref_slice %arg7[%dma_start3A_496, %dma_start3A_497, %dma_start3A_498] : memref<2x512x32xf32, #tpu.memory_space<vmem>> -> memref<1x128x32xf32, #tpu.memory_space<vmem>>
      %dma_start3A_500 = tpu.memref_squeeze %dma_start3A_499 : memref<1x128x32xf32, #tpu.memory_space<vmem>> -> memref<128x32xf32, #tpu.memory_space<vmem>>
      %dma_start3A_501 = arith.constant 384 : i32
      %dma_start3A_502 = tpu.memref_slice %arg6[%dma_start3A_495, %dma_start3A_501] : memref<2x512xi32, #tpu.memory_space<vmem>> -> memref<1x128xi32, #tpu.memory_space<vmem>>
      %dma_start3A_503 = tpu.memref_squeeze %dma_start3A_502 : memref<1x128xi32, #tpu.memory_space<vmem>> -> memref<128xi32, #tpu.memory_space<vmem>>
      %dma_start3A_504 = arith.constant 0 : i32
      %dma_start3A_505 = arith.constant 0 : i32
      %dma_start3A_506 = tpu.memref_slice %arg2[%dma_start3A_504, %dma_start3A_505] : memref<1000000x32xf32, #tpu.memory_space<hbm>> -> memref<1000000x32xf32, #tpu.memory_space<hbm>>
      tpu.enqueue_indirect_dma source(%dma_start3A_506 : memref<1000000x32xf32, #tpu.memory_space<hbm>>) target(%dma_start3A_500 : memref<128x32xf32, #tpu.memory_space<vmem>>) offsets(%dma_start3A_503 : memref<128xi32, #tpu.memory_space<vmem>>) semaphore(%arg8 : memref<!tpu.dma_semaphore, #tpu.memory_space<semaphore_mem>>)
      %add3A_507 = arith.addi %mul3A_2, %add3A_126 : i32
      %add3A_508 = arith.constant 1 : i32
      %add3A_509 = arith.addi %add3A_507, %add3A_508 : i32
      %jit3A_510 = arith.constant 32 : i32
      %div3A_511 = arith.divsi %add3A_509, %jit3A_510 : i32
      %sign3A_512 = arith.constant 0 : i32
      %sign3A_513 = arith.cmpi sgt, %add3A_509, %sign3A_512 : i32
      %sign3A_514 = arith.extui %sign3A_513 : i1 to i32
      %sign3A_515 = arith.constant 0 : i32
      %sign3A_516 = arith.cmpi slt, %add3A_509, %sign3A_515 : i32
      %sign3A_517 = arith.extui %sign3A_516 : i1 to i32
      %sign3A_518 = arith.subi %sign3A_514, %sign3A_517 : i32
      %sign3A_519 = arith.constant 0 : i32
      %sign3A_520 = arith.cmpi sgt, %jit3A_510, %sign3A_519 : i32
      %sign3A_521 = arith.extui %sign3A_520 : i1 to i32
      %sign3A_522 = arith.constant 0 : i32
      %sign3A_523 = arith.cmpi slt, %jit3A_510, %sign3A_522 : i32
      %sign3A_524 = arith.extui %sign3A_523 : i1 to i32
      %sign3A_525 = arith.subi %sign3A_521, %sign3A_524 : i32
      %ne3A_526 = arith.cmpi ne, %sign3A_518, %sign3A_525 : i32
      %rem3A_527 = arith.remsi %add3A_509, %jit3A_510 : i32
      %ne3A_528 = arith.constant 0 : i32
      %ne3A_529 = arith.cmpi ne, %rem3A_527, %ne3A_528 : i32
      %and3A_530 = arith.andi %ne3A_526, %ne3A_529 : i1
      %sub3A_531 = arith.constant 1 : i32
      %sub3A_532 = arith.subi %div3A_511, %sub3A_531 : i32
      %select_n3A_533 = arith.select %and3A_530, %sub3A_532, %div3A_511 : i32
      %jit3A_534 = arith.constant 32 : i32
      %eq3A_535 = arith.constant 0 : i32
      %eq3A_536 = arith.cmpi eq, %jit3A_534, %eq3A_535 : i32
      %jit3A_537 = arith.constant 1 : i32
      %select_n3A_538 = arith.select %eq3A_536, %jit3A_537, %jit3A_534 : i32
      %rem3A_539 = arith.remsi %add3A_509, %select_n3A_538 : i32
      %ne3A_540 = arith.constant 0 : i32
      %ne3A_541 = arith.cmpi ne, %rem3A_539, %ne3A_540 : i32
      %lt3A_542 = arith.constant 0 : i32
      %lt3A_543 = arith.cmpi slt, %rem3A_539, %lt3A_542 : i32
      %lt3A_544 = arith.constant 0 : i32
      %lt3A_545 = arith.cmpi slt, %select_n3A_538, %lt3A_544 : i32
      %ne3A_546 = arith.xori %lt3A_543, %lt3A_545 : i1
      %and3A_547 = arith.andi %ne3A_546, %ne3A_541 : i1
      %add3A_548 = arith.addi %rem3A_539, %select_n3A_538 : i32
      %select_n3A_549 = arith.select %and3A_547, %add3A_548, %rem3A_539 : i32
      %mul3A_550 = arith.constant 512 : i32
      %mul3A_551 = arith.muli %select_n3A_549, %mul3A_550 : i32
      %ne3A_552 = arith.constant 0 : i32
      %ne3A_553 = arith.cmpi ne, %add3A_126, %ne3A_552 : i32
      %convert_element_type3A_554 = arith.extui %ne3A_553 : i1 to i32
      %cond3A_555 = arith.constant 0 : i32
      %cond3A_556 = arith.cmpi ne, %convert_element_type3A_554, %cond3A_555 : i32
      scf.if %cond3A_556 {
        %dma_wait3A_1110 = arith.constant 1 : i32
        %dma_wait3A_1111 = arith.constant 0 : i32
        %dma_wait3A_1112 = arith.constant 0 : i32
        %dma_wait3A_1113 = tpu.memref_slice %arg7[%dma_wait3A_1110, %dma_wait3A_1111, %dma_wait3A_1112] : memref<2x512x32xf32, #tpu.memory_space<vmem>> -> memref<1x512x32xf32, #tpu.memory_space<vmem>>
        %dma_wait3A_1114 = tpu.memref_squeeze %dma_wait3A_1113 : memref<1x512x32xf32, #tpu.memory_space<vmem>> -> memref<512x32xf32, #tpu.memory_space<vmem>>
        %dma_wait3A_1115 = arith.constant 0 : i32
        %dma_wait3A_1116 = tpu.memref_slice %arg4[%select_n3A_533, %mul3A_551, %dma_wait3A_1115] : memref<26x16384x32xf32, #tpu.memory_space<hbm>> -> memref<1x512x32xf32, #tpu.memory_space<hbm>>
        %dma_wait3A_1117 = tpu.memref_squeeze %dma_wait3A_1116 : memref<1x512x32xf32, #tpu.memory_space<hbm>> -> memref<512x32xf32, #tpu.memory_space<hbm>>
        %dma_wait3A_1118 = arith.constant 0 : i32
        %dma_wait3A_1119 = tpu.memref_slice %arg4[%select_n3A_533, %mul3A_551, %dma_wait3A_1118] : memref<26x16384x32xf32, #tpu.memory_space<hbm>> -> memref<1x512x32xf32, #tpu.memory_space<hbm>>
        %dma_wait3A_1120 = tpu.memref_squeeze %dma_wait3A_1119 : memref<1x512x32xf32, #tpu.memory_space<hbm>> -> memref<512x32xf32, #tpu.memory_space<hbm>>
        %dma_wait3A_1121 = arith.constant 0 : i32
        %dma_wait3A_1122 = arith.constant 0 : i32
        %dma_wait3A_1123 = tpu.memref_slice %arg7[%dma_wait3A_1110, %dma_wait3A_1121, %dma_wait3A_1122] : memref<2x512x32xf32, #tpu.memory_space<vmem>> -> memref<1x512x32xf32, #tpu.memory_space<vmem>>
        %dma_wait3A_1124 = tpu.memref_squeeze %dma_wait3A_1123 : memref<1x512x32xf32, #tpu.memory_space<vmem>> -> memref<512x32xf32, #tpu.memory_space<vmem>>
        tpu.wait_dma2 semaphore(%arg11 : memref<!tpu.dma_semaphore, #tpu.memory_space<semaphore_mem>>) src(%dma_wait3A_1124 : memref<512x32xf32, #tpu.memory_space<vmem>>) dst(%dma_wait3A_1120 : memref<512x32xf32, #tpu.memory_space<hbm>>)
      } else {
      }
      %run_scoped3A_557 = arith.constant 1 : i32
      "tpu.region"() ({
        %run_scoped3A_1110 = tpu.sem_alloc : memref<!tpu.dma_semaphore, #tpu.memory_space<semaphore_mem>>
        %dma_start3A_1111 = arith.constant 0 : i32
        %dma_start3A_1112 = tpu.memref_slice %arg5[%run_scoped3A_557, %dma_start3A_1111] : memref<2x512xf32, #tpu.memory_space<vmem>> -> memref<1x512xf32, #tpu.memory_space<vmem>>
        %dma_start3A_1113 = tpu.memref_squeeze %dma_start3A_1112 : memref<1x512xf32, #tpu.memory_space<vmem>> -> memref<512xf32, #tpu.memory_space<vmem>>
        %dma_start3A_1114 = tpu.memref_slice %arg3[%select_n3A_533, %mul3A_551] : memref<26x16384xf32, #tpu.memory_space<hbm>> -> memref<1x512xf32, #tpu.memory_space<hbm>>
        %dma_start3A_1115 = tpu.memref_squeeze %dma_start3A_1114 : memref<1x512xf32, #tpu.memory_space<hbm>> -> memref<512xf32, #tpu.memory_space<hbm>>
        %dma_start3A_1116 = arith.constant 0 : i32
        %dma_start3A_1117 = tpu.memref_slice %arg5[%run_scoped3A_557, %dma_start3A_1116] : memref<2x512xf32, #tpu.memory_space<vmem>> -> memref<1x512xf32, #tpu.memory_space<vmem>>
        %dma_start3A_1118 = tpu.memref_squeeze %dma_start3A_1117 : memref<1x512xf32, #tpu.memory_space<vmem>> -> memref<512xf32, #tpu.memory_space<vmem>>
        %dma_start3A_1119 = tpu.memref_slice %arg3[%select_n3A_533, %mul3A_551] : memref<26x16384xf32, #tpu.memory_space<hbm>> -> memref<1x512xf32, #tpu.memory_space<hbm>>
        %dma_start3A_1120 = tpu.memref_squeeze %dma_start3A_1119 : memref<1x512xf32, #tpu.memory_space<hbm>> -> memref<512xf32, #tpu.memory_space<hbm>>
        tpu.enqueue_dma source(%dma_start3A_1120 : memref<512xf32, #tpu.memory_space<hbm>>) target(%dma_start3A_1118 : memref<512xf32, #tpu.memory_space<vmem>>) target_semaphore(%run_scoped3A_1110 : memref<!tpu.dma_semaphore, #tpu.memory_space<semaphore_mem>>)
        %dma_wait3A_1121 = arith.constant 0 : i32
        %dma_wait3A_1122 = tpu.memref_slice %arg5[%run_scoped3A_557, %dma_wait3A_1121] : memref<2x512xf32, #tpu.memory_space<vmem>> -> memref<1x512xf32, #tpu.memory_space<vmem>>
        %dma_wait3A_1123 = tpu.memref_squeeze %dma_wait3A_1122 : memref<1x512xf32, #tpu.memory_space<vmem>> -> memref<512xf32, #tpu.memory_space<vmem>>
        %dma_wait3A_1124 = tpu.memref_slice %arg3[%select_n3A_533, %mul3A_551] : memref<26x16384xf32, #tpu.memory_space<hbm>> -> memref<1x512xf32, #tpu.memory_space<hbm>>
        %dma_wait3A_1125 = tpu.memref_squeeze %dma_wait3A_1124 : memref<1x512xf32, #tpu.memory_space<hbm>> -> memref<512xf32, #tpu.memory_space<hbm>>
        %dma_wait3A_1126 = arith.constant 0 : i32
        %dma_wait3A_1127 = tpu.memref_slice %arg5[%run_scoped3A_557, %dma_wait3A_1126] : memref<2x512xf32, #tpu.memory_space<vmem>> -> memref<1x512xf32, #tpu.memory_space<vmem>>
        %dma_wait3A_1128 = tpu.memref_squeeze %dma_wait3A_1127 : memref<1x512xf32, #tpu.memory_space<vmem>> -> memref<512xf32, #tpu.memory_space<vmem>>
        %dma_wait3A_1129 = tpu.memref_slice %arg3[%select_n3A_533, %mul3A_551] : memref<26x16384xf32, #tpu.memory_space<hbm>> -> memref<1x512xf32, #tpu.memory_space<hbm>>
        %dma_wait3A_1130 = tpu.memref_squeeze %dma_wait3A_1129 : memref<1x512xf32, #tpu.memory_space<hbm>> -> memref<512xf32, #tpu.memory_space<hbm>>
        tpu.wait_dma2 semaphore(%run_scoped3A_1110 : memref<!tpu.dma_semaphore, #tpu.memory_space<semaphore_mem>>) src(%dma_wait3A_1130 : memref<512xf32, #tpu.memory_space<hbm>>) dst(%dma_wait3A_1128 : memref<512xf32, #tpu.memory_space<vmem>>)
        tpu.yield
      }) : () -> ()
      %get3A_558 = arith.constant 1 : i32
      %get3A_559 = arith.index_cast %get3A_558 : i32 to index
      %get3A_560 = arith.constant 0 : index
      %get3A_561 = tpu.vector_load %arg5[%get3A_559, %get3A_560] {strides = array<i32>} : memref<2x512xf32, #tpu.memory_space<vmem>>, vector<16xf32>,
      %bitcast3A_562 = vector.bitcast %get3A_561 : vector<16xf32> to vector<16xi32>
      %swap3A_563 = arith.constant 1 : i32
      %swap3A_564 = arith.index_cast %swap3A_563 : i32 to index
      %swap3A_565 = arith.constant 0 : index
      %swap3A_566 = tpu.vector_load %arg6[%swap3A_564, %swap3A_565] {strides = array<i32>} : memref<2x512xi32, #tpu.memory_space<vmem>>, vector<16xi32>,
      tpu.vector_store %arg6[%swap3A_564, %swap3A_565], %bitcast3A_562 {strides = array<i32>} : memref<2x512xi32, #tpu.memory_space<vmem>>, vector<16xi32>,
      %get3A_567 = arith.constant 1 : i32
      %get3A_568 = arith.index_cast %get3A_567 : i32 to index
      %get3A_569 = arith.constant 16 : index
      %get3A_570 = tpu.vector_load %arg5[%get3A_568, %get3A_569] {strides = array<i32>} : memref<2x512xf32, #tpu.memory_space<vmem>>, vector<16xf32>,
      %bitcast3A_571 = vector.bitcast %get3A_570 : vector<16xf32> to vector<16xi32>
      %swap3A_572 = arith.constant 1 : i32
      %swap3A_573 = arith.index_cast %swap3A_572 : i32 to index
      %swap3A_574 = arith.constant 16 : index
      %swap3A_575 = tpu.vector_load %arg6[%swap3A_573, %swap3A_574] {strides = array<i32>} : memref<2x512xi32, #tpu.memory_space<vmem>>, vector<16xi32>,
      tpu.vector_store %arg6[%swap3A_573, %swap3A_574], %bitcast3A_571 {strides = array<i32>} : memref<2x512xi32, #tpu.memory_space<vmem>>, vector<16xi32>,
      %get3A_576 = arith.constant 1 : i32
      %get3A_577 = arith.index_cast %get3A_576 : i32 to index
      %get3A_578 = arith.constant 32 : index
      %get3A_579 = tpu.vector_load %arg5[%get3A_577, %get3A_578] {strides = array<i32>} : memref<2x512xf32, #tpu.memory_space<vmem>>, vector<16xf32>,
      %bitcast3A_580 = vector.bitcast %get3A_579 : vector<16xf32> to vector<16xi32>
      %swap3A_581 = arith.constant 1 : i32
      %swap3A_582 = arith.index_cast %swap3A_581 : i32 to index
      %swap3A_583 = arith.constant 32 : index
      %swap3A_584 = tpu.vector_load %arg6[%swap3A_582, %swap3A_583] {strides = array<i32>} : memref<2x512xi32, #tpu.memory_space<vmem>>, vector<16xi32>,
      tpu.vector_store %arg6[%swap3A_582, %swap3A_583], %bitcast3A_580 {strides = array<i32>} : memref<2x512xi32, #tpu.memory_space<vmem>>, vector<16xi32>,
      %get3A_585 = arith.constant 1 : i32
      %get3A_586 = arith.index_cast %get3A_585 : i32 to index
      %get3A_587 = arith.constant 48 : index
      %get3A_588 = tpu.vector_load %arg5[%get3A_586, %get3A_587] {strides = array<i32>} : memref<2x512xf32, #tpu.memory_space<vmem>>, vector<16xf32>,
      %bitcast3A_589 = vector.bitcast %get3A_588 : vector<16xf32> to vector<16xi32>
      %swap3A_590 = arith.constant 1 : i32
      %swap3A_591 = arith.index_cast %swap3A_590 : i32 to index
      %swap3A_592 = arith.constant 48 : index
      %swap3A_593 = tpu.vector_load %arg6[%swap3A_591, %swap3A_592] {strides = array<i32>} : memref<2x512xi32, #tpu.memory_space<vmem>>, vector<16xi32>,
      tpu.vector_store %arg6[%swap3A_591, %swap3A_592], %bitcast3A_589 {strides = array<i32>} : memref<2x512xi32, #tpu.memory_space<vmem>>, vector<16xi32>,
      %get3A_594 = arith.constant 1 : i32
      %get3A_595 = arith.index_cast %get3A_594 : i32 to index
      %get3A_596 = arith.constant 64 : index
      %get3A_597 = tpu.vector_load %arg5[%get3A_595, %get3A_596] {strides = array<i32>} : memref<2x512xf32, #tpu.memory_space<vmem>>, vector<16xf32>,
      %bitcast3A_598 = vector.bitcast %get3A_597 : vector<16xf32> to vector<16xi32>
      %swap3A_599 = arith.constant 1 : i32
      %swap3A_600 = arith.index_cast %swap3A_599 : i32 to index
      %swap3A_601 = arith.constant 64 : index
      %swap3A_602 = tpu.vector_load %arg6[%swap3A_600, %swap3A_601] {strides = array<i32>} : memref<2x512xi32, #tpu.memory_space<vmem>>, vector<16xi32>,
      tpu.vector_store %arg6[%swap3A_600, %swap3A_601], %bitcast3A_598 {strides = array<i32>} : memref<2x512xi32, #tpu.memory_space<vmem>>, vector<16xi32>,
      %get3A_603 = arith.constant 1 : i32
      %get3A_604 = arith.index_cast %get3A_603 : i32 to index
      %get3A_605 = arith.constant 80 : index
      %get3A_606 = tpu.vector_load %arg5[%get3A_604, %get3A_605] {strides = array<i32>} : memref<2x512xf32, #tpu.memory_space<vmem>>, vector<16xf32>,
      %bitcast3A_607 = vector.bitcast %get3A_606 : vector<16xf32> to vector<16xi32>
      %swap3A_608 = arith.constant 1 : i32
      %swap3A_609 = arith.index_cast %swap3A_608 : i32 to index
      %swap3A_610 = arith.constant 80 : index
      %swap3A_611 = tpu.vector_load %arg6[%swap3A_609, %swap3A_610] {strides = array<i32>} : memref<2x512xi32, #tpu.memory_space<vmem>>, vector<16xi32>,
      tpu.vector_store %arg6[%swap3A_609, %swap3A_610], %bitcast3A_607 {strides = array<i32>} : memref<2x512xi32, #tpu.memory_space<vmem>>, vector<16xi32>,
      %get3A_612 = arith.constant 1 : i32
      %get3A_613 = arith.index_cast %get3A_612 : i32 to index
      %get3A_614 = arith.constant 96 : index
      %get3A_615 = tpu.vector_load %arg5[%get3A_613, %get3A_614] {strides = array<i32>} : memref<2x512xf32, #tpu.memory_space<vmem>>, vector<16xf32>,
      %bitcast3A_616 = vector.bitcast %get3A_615 : vector<16xf32> to vector<16xi32>
      %swap3A_617 = arith.constant 1 : i32
      %swap3A_618 = arith.index_cast %swap3A_617 : i32 to index
      %swap3A_619 = arith.constant 96 : index
      %swap3A_620 = tpu.vector_load %arg6[%swap3A_618, %swap3A_619] {strides = array<i32>} : memref<2x512xi32, #tpu.memory_space<vmem>>, vector<16xi32>,
      tpu.vector_store %arg6[%swap3A_618, %swap3A_619], %bitcast3A_616 {strides = array<i32>} : memref<2x512xi32, #tpu.memory_space<vmem>>, vector<16xi32>,
      %get3A_621 = arith.constant 1 : i32
      %get3A_622 = arith.index_cast %get3A_621 : i32 to index
      %get3A_623 = arith.constant 112 : index
      %get3A_624 = tpu.vector_load %arg5[%get3A_622, %get3A_623] {strides = array<i32>} : memref<2x512xf32, #tpu.memory_space<vmem>>, vector<16xf32>,
      %bitcast3A_625 = vector.bitcast %get3A_624 : vector<16xf32> to vector<16xi32>
      %swap3A_626 = arith.constant 1 : i32
      %swap3A_627 = arith.index_cast %swap3A_626 : i32 to index
      %swap3A_628 = arith.constant 112 : index
      %swap3A_629 = tpu.vector_load %arg6[%swap3A_627, %swap3A_628] {strides = array<i32>} : memref<2x512xi32, #tpu.memory_space<vmem>>, vector<16xi32>,
      tpu.vector_store %arg6[%swap3A_627, %swap3A_628], %bitcast3A_625 {strides = array<i32>} : memref<2x512xi32, #tpu.memory_space<vmem>>, vector<16xi32>,
      %get3A_630 = arith.constant 1 : i32
      %get3A_631 = arith.index_cast %get3A_630 : i32 to index
      %get3A_632 = arith.constant 128 : index
      %get3A_633 = tpu.vector_load %arg5[%get3A_631, %get3A_632] {strides = array<i32>} : memref<2x512xf32, #tpu.memory_space<vmem>>, vector<16xf32>,
      %bitcast3A_634 = vector.bitcast %get3A_633 : vector<16xf32> to vector<16xi32>
      %swap3A_635 = arith.constant 1 : i32
      %swap3A_636 = arith.index_cast %swap3A_635 : i32 to index
      %swap3A_637 = arith.constant 128 : index
      %swap3A_638 = tpu.vector_load %arg6[%swap3A_636, %swap3A_637] {strides = array<i32>} : memref<2x512xi32, #tpu.memory_space<vmem>>, vector<16xi32>,
      tpu.vector_store %arg6[%swap3A_636, %swap3A_637], %bitcast3A_634 {strides = array<i32>} : memref<2x512xi32, #tpu.memory_space<vmem>>, vector<16xi32>,
      %get3A_639 = arith.constant 1 : i32
      %get3A_640 = arith.index_cast %get3A_639 : i32 to index
      %get3A_641 = arith.constant 144 : index
      %get3A_642 = tpu.vector_load %arg5[%get3A_640, %get3A_641] {strides = array<i32>} : memref<2x512xf32, #tpu.memory_space<vmem>>, vector<16xf32>,
      %bitcast3A_643 = vector.bitcast %get3A_642 : vector<16xf32> to vector<16xi32>
      %swap3A_644 = arith.constant 1 : i32
      %swap3A_645 = arith.index_cast %swap3A_644 : i32 to index
      %swap3A_646 = arith.constant 144 : index
      %swap3A_647 = tpu.vector_load %arg6[%swap3A_645, %swap3A_646] {strides = array<i32>} : memref<2x512xi32, #tpu.memory_space<vmem>>, vector<16xi32>,
      tpu.vector_store %arg6[%swap3A_645, %swap3A_646], %bitcast3A_643 {strides = array<i32>} : memref<2x512xi32, #tpu.memory_space<vmem>>, vector<16xi32>,
      %get3A_648 = arith.constant 1 : i32
      %get3A_649 = arith.index_cast %get3A_648 : i32 to index
      %get3A_650 = arith.constant 160 : index
      %get3A_651 = tpu.vector_load %arg5[%get3A_649, %get3A_650] {strides = array<i32>} : memref<2x512xf32, #tpu.memory_space<vmem>>, vector<16xf32>,
      %bitcast3A_652 = vector.bitcast %get3A_651 : vector<16xf32> to vector<16xi32>
      %swap3A_653 = arith.constant 1 : i32
      %swap3A_654 = arith.index_cast %swap3A_653 : i32 to index
      %swap3A_655 = arith.constant 160 : index
      %swap3A_656 = tpu.vector_load %arg6[%swap3A_654, %swap3A_655] {strides = array<i32>} : memref<2x512xi32, #tpu.memory_space<vmem>>, vector<16xi32>,
      tpu.vector_store %arg6[%swap3A_654, %swap3A_655], %bitcast3A_652 {strides = array<i32>} : memref<2x512xi32, #tpu.memory_space<vmem>>, vector<16xi32>,
      %get3A_657 = arith.constant 1 : i32
      %get3A_658 = arith.index_cast %get3A_657 : i32 to index
      %get3A_659 = arith.constant 176 : index
      %get3A_660 = tpu.vector_load %arg5[%get3A_658, %get3A_659] {strides = array<i32>} : memref<2x512xf32, #tpu.memory_space<vmem>>, vector<16xf32>,
      %bitcast3A_661 = vector.bitcast %get3A_660 : vector<16xf32> to vector<16xi32>
      %swap3A_662 = arith.constant 1 : i32
      %swap3A_663 = arith.index_cast %swap3A_662 : i32 to index
      %swap3A_664 = arith.constant 176 : index
      %swap3A_665 = tpu.vector_load %arg6[%swap3A_663, %swap3A_664] {strides = array<i32>} : memref<2x512xi32, #tpu.memory_space<vmem>>, vector<16xi32>,
      tpu.vector_store %arg6[%swap3A_663, %swap3A_664], %bitcast3A_661 {strides = array<i32>} : memref<2x512xi32, #tpu.memory_space<vmem>>, vector<16xi32>,
      %get3A_666 = arith.constant 1 : i32
      %get3A_667 = arith.index_cast %get3A_666 : i32 to index
      %get3A_668 = arith.constant 192 : index
      %get3A_669 = tpu.vector_load %arg5[%get3A_667, %get3A_668] {strides = array<i32>} : memref<2x512xf32, #tpu.memory_space<vmem>>, vector<16xf32>,
      %bitcast3A_670 = vector.bitcast %get3A_669 : vector<16xf32> to vector<16xi32>
      %swap3A_671 = arith.constant 1 : i32
      %swap3A_672 = arith.index_cast %swap3A_671 : i32 to index
      %swap3A_673 = arith.constant 192 : index
      %swap3A_674 = tpu.vector_load %arg6[%swap3A_672, %swap3A_673] {strides = array<i32>} : memref<2x512xi32, #tpu.memory_space<vmem>>, vector<16xi32>,
      tpu.vector_store %arg6[%swap3A_672, %swap3A_673], %bitcast3A_670 {strides = array<i32>} : memref<2x512xi32, #tpu.memory_space<vmem>>, vector<16xi32>,
      %get3A_675 = arith.constant 1 : i32
      %get3A_676 = arith.index_cast %get3A_675 : i32 to index
      %get3A_677 = arith.constant 208 : index
      %get3A_678 = tpu.vector_load %arg5[%get3A_676, %get3A_677] {strides = array<i32>} : memref<2x512xf32, #tpu.memory_space<vmem>>, vector<16xf32>,
      %bitcast3A_679 = vector.bitcast %get3A_678 : vector<16xf32> to vector<16xi32>
      %swap3A_680 = arith.constant 1 : i32
      %swap3A_681 = arith.index_cast %swap3A_680 : i32 to index
      %swap3A_682 = arith.constant 208 : index
      %swap3A_683 = tpu.vector_load %arg6[%swap3A_681, %swap3A_682] {strides = array<i32>} : memref<2x512xi32, #tpu.memory_space<vmem>>, vector<16xi32>,
      tpu.vector_store %arg6[%swap3A_681, %swap3A_682], %bitcast3A_679 {strides = array<i32>} : memref<2x512xi32, #tpu.memory_space<vmem>>, vector<16xi32>,
      %get3A_684 = arith.constant 1 : i32
      %get3A_685 = arith.index_cast %get3A_684 : i32 to index
      %get3A_686 = arith.constant 224 : index
      %get3A_687 = tpu.vector_load %arg5[%get3A_685, %get3A_686] {strides = array<i32>} : memref<2x512xf32, #tpu.memory_space<vmem>>, vector<16xf32>,
      %bitcast3A_688 = vector.bitcast %get3A_687 : vector<16xf32> to vector<16xi32>
      %swap3A_689 = arith.constant 1 : i32
      %swap3A_690 = arith.index_cast %swap3A_689 : i32 to index
      %swap3A_691 = arith.constant 224 : index
      %swap3A_692 = tpu.vector_load %arg6[%swap3A_690, %swap3A_691] {strides = array<i32>} : memref<2x512xi32, #tpu.memory_space<vmem>>, vector<16xi32>,
      tpu.vector_store %arg6[%swap3A_690, %swap3A_691], %bitcast3A_688 {strides = array<i32>} : memref<2x512xi32, #tpu.memory_space<vmem>>, vector<16xi32>,
      %get3A_693 = arith.constant 1 : i32
      %get3A_694 = arith.index_cast %get3A_693 : i32 to index
      %get3A_695 = arith.constant 240 : index
      %get3A_696 = tpu.vector_load %arg5[%get3A_694, %get3A_695] {strides = array<i32>} : memref<2x512xf32, #tpu.memory_space<vmem>>, vector<16xf32>,
      %bitcast3A_697 = vector.bitcast %get3A_696 : vector<16xf32> to vector<16xi32>
      %swap3A_698 = arith.constant 1 : i32
      %swap3A_699 = arith.index_cast %swap3A_698 : i32 to index
      %swap3A_700 = arith.constant 240 : index
      %swap3A_701 = tpu.vector_load %arg6[%swap3A_699, %swap3A_700] {strides = array<i32>} : memref<2x512xi32, #tpu.memory_space<vmem>>, vector<16xi32>,
      tpu.vector_store %arg6[%swap3A_699, %swap3A_700], %bitcast3A_697 {strides = array<i32>} : memref<2x512xi32, #tpu.memory_space<vmem>>, vector<16xi32>,
      %get3A_702 = arith.constant 1 : i32
      %get3A_703 = arith.index_cast %get3A_702 : i32 to index
      %get3A_704 = arith.constant 256 : index
      %get3A_705 = tpu.vector_load %arg5[%get3A_703, %get3A_704] {strides = array<i32>} : memref<2x512xf32, #tpu.memory_space<vmem>>, vector<16xf32>,
      %bitcast3A_706 = vector.bitcast %get3A_705 : vector<16xf32> to vector<16xi32>
      %swap3A_707 = arith.constant 1 : i32
      %swap3A_708 = arith.index_cast %swap3A_707 : i32 to index
      %swap3A_709 = arith.constant 256 : index
      %swap3A_710 = tpu.vector_load %arg6[%swap3A_708, %swap3A_709] {strides = array<i32>} : memref<2x512xi32, #tpu.memory_space<vmem>>, vector<16xi32>,
      tpu.vector_store %arg6[%swap3A_708, %swap3A_709], %bitcast3A_706 {strides = array<i32>} : memref<2x512xi32, #tpu.memory_space<vmem>>, vector<16xi32>,
      %get3A_711 = arith.constant 1 : i32
      %get3A_712 = arith.index_cast %get3A_711 : i32 to index
      %get3A_713 = arith.constant 272 : index
      %get3A_714 = tpu.vector_load %arg5[%get3A_712, %get3A_713] {strides = array<i32>} : memref<2x512xf32, #tpu.memory_space<vmem>>, vector<16xf32>,
      %bitcast3A_715 = vector.bitcast %get3A_714 : vector<16xf32> to vector<16xi32>
      %swap3A_716 = arith.constant 1 : i32
      %swap3A_717 = arith.index_cast %swap3A_716 : i32 to index
      %swap3A_718 = arith.constant 272 : index
      %swap3A_719 = tpu.vector_load %arg6[%swap3A_717, %swap3A_718] {strides = array<i32>} : memref<2x512xi32, #tpu.memory_space<vmem>>, vector<16xi32>,
      tpu.vector_store %arg6[%swap3A_717, %swap3A_718], %bitcast3A_715 {strides = array<i32>} : memref<2x512xi32, #tpu.memory_space<vmem>>, vector<16xi32>,
      %get3A_720 = arith.constant 1 : i32
      %get3A_721 = arith.index_cast %get3A_720 : i32 to index
      %get3A_722 = arith.constant 288 : index
      %get3A_723 = tpu.vector_load %arg5[%get3A_721, %get3A_722] {strides = array<i32>} : memref<2x512xf32, #tpu.memory_space<vmem>>, vector<16xf32>,
      %bitcast3A_724 = vector.bitcast %get3A_723 : vector<16xf32> to vector<16xi32>
      %swap3A_725 = arith.constant 1 : i32
      %swap3A_726 = arith.index_cast %swap3A_725 : i32 to index
      %swap3A_727 = arith.constant 288 : index
      %swap3A_728 = tpu.vector_load %arg6[%swap3A_726, %swap3A_727] {strides = array<i32>} : memref<2x512xi32, #tpu.memory_space<vmem>>, vector<16xi32>,
      tpu.vector_store %arg6[%swap3A_726, %swap3A_727], %bitcast3A_724 {strides = array<i32>} : memref<2x512xi32, #tpu.memory_space<vmem>>, vector<16xi32>,
      %get3A_729 = arith.constant 1 : i32
      %get3A_730 = arith.index_cast %get3A_729 : i32 to index
      %get3A_731 = arith.constant 304 : index
      %get3A_732 = tpu.vector_load %arg5[%get3A_730, %get3A_731] {strides = array<i32>} : memref<2x512xf32, #tpu.memory_space<vmem>>, vector<16xf32>,
      %bitcast3A_733 = vector.bitcast %get3A_732 : vector<16xf32> to vector<16xi32>
      %swap3A_734 = arith.constant 1 : i32
      %swap3A_735 = arith.index_cast %swap3A_734 : i32 to index
      %swap3A_736 = arith.constant 304 : index
      %swap3A_737 = tpu.vector_load %arg6[%swap3A_735, %swap3A_736] {strides = array<i32>} : memref<2x512xi32, #tpu.memory_space<vmem>>, vector<16xi32>,
      tpu.vector_store %arg6[%swap3A_735, %swap3A_736], %bitcast3A_733 {strides = array<i32>} : memref<2x512xi32, #tpu.memory_space<vmem>>, vector<16xi32>,
      %get3A_738 = arith.constant 1 : i32
      %get3A_739 = arith.index_cast %get3A_738 : i32 to index
      %get3A_740 = arith.constant 320 : index
      %get3A_741 = tpu.vector_load %arg5[%get3A_739, %get3A_740] {strides = array<i32>} : memref<2x512xf32, #tpu.memory_space<vmem>>, vector<16xf32>,
      %bitcast3A_742 = vector.bitcast %get3A_741 : vector<16xf32> to vector<16xi32>
      %swap3A_743 = arith.constant 1 : i32
      %swap3A_744 = arith.index_cast %swap3A_743 : i32 to index
      %swap3A_745 = arith.constant 320 : index
      %swap3A_746 = tpu.vector_load %arg6[%swap3A_744, %swap3A_745] {strides = array<i32>} : memref<2x512xi32, #tpu.memory_space<vmem>>, vector<16xi32>,
      tpu.vector_store %arg6[%swap3A_744, %swap3A_745], %bitcast3A_742 {strides = array<i32>} : memref<2x512xi32, #tpu.memory_space<vmem>>, vector<16xi32>,
      %get3A_747 = arith.constant 1 : i32
      %get3A_748 = arith.index_cast %get3A_747 : i32 to index
      %get3A_749 = arith.constant 336 : index
      %get3A_750 = tpu.vector_load %arg5[%get3A_748, %get3A_749] {strides = array<i32>} : memref<2x512xf32, #tpu.memory_space<vmem>>, vector<16xf32>,
      %bitcast3A_751 = vector.bitcast %get3A_750 : vector<16xf32> to vector<16xi32>
      %swap3A_752 = arith.constant 1 : i32
      %swap3A_753 = arith.index_cast %swap3A_752 : i32 to index
      %swap3A_754 = arith.constant 336 : index
      %swap3A_755 = tpu.vector_load %arg6[%swap3A_753, %swap3A_754] {strides = array<i32>} : memref<2x512xi32, #tpu.memory_space<vmem>>, vector<16xi32>,
      tpu.vector_store %arg6[%swap3A_753, %swap3A_754], %bitcast3A_751 {strides = array<i32>} : memref<2x512xi32, #tpu.memory_space<vmem>>, vector<16xi32>,
      %get3A_756 = arith.constant 1 : i32
      %get3A_757 = arith.index_cast %get3A_756 : i32 to index
      %get3A_758 = arith.constant 352 : index
      %get3A_759 = tpu.vector_load %arg5[%get3A_757, %get3A_758] {strides = array<i32>} : memref<2x512xf32, #tpu.memory_space<vmem>>, vector<16xf32>,
      %bitcast3A_760 = vector.bitcast %get3A_759 : vector<16xf32> to vector<16xi32>
      %swap3A_761 = arith.constant 1 : i32
      %swap3A_762 = arith.index_cast %swap3A_761 : i32 to index
      %swap3A_763 = arith.constant 352 : index
      %swap3A_764 = tpu.vector_load %arg6[%swap3A_762, %swap3A_763] {strides = array<i32>} : memref<2x512xi32, #tpu.memory_space<vmem>>, vector<16xi32>,
      tpu.vector_store %arg6[%swap3A_762, %swap3A_763], %bitcast3A_760 {strides = array<i32>} : memref<2x512xi32, #tpu.memory_space<vmem>>, vector<16xi32>,
      %get3A_765 = arith.constant 1 : i32
      %get3A_766 = arith.index_cast %get3A_765 : i32 to index
      %get3A_767 = arith.constant 368 : index
      %get3A_768 = tpu.vector_load %arg5[%get3A_766, %get3A_767] {strides = array<i32>} : memref<2x512xf32, #tpu.memory_space<vmem>>, vector<16xf32>,
      %bitcast3A_769 = vector.bitcast %get3A_768 : vector<16xf32> to vector<16xi32>
      %swap3A_770 = arith.constant 1 : i32
      %swap3A_771 = arith.index_cast %swap3A_770 : i32 to index
      %swap3A_772 = arith.constant 368 : index
      %swap3A_773 = tpu.vector_load %arg6[%swap3A_771, %swap3A_772] {strides = array<i32>} : memref<2x512xi32, #tpu.memory_space<vmem>>, vector<16xi32>,
      tpu.vector_store %arg6[%swap3A_771, %swap3A_772], %bitcast3A_769 {strides = array<i32>} : memref<2x512xi32, #tpu.memory_space<vmem>>, vector<16xi32>,
      %get3A_774 = arith.constant 1 : i32
      %get3A_775 = arith.index_cast %get3A_774 : i32 to index
      %get3A_776 = arith.constant 384 : index
      %get3A_777 = tpu.vector_load %arg5[%get3A_775, %get3A_776] {strides = array<i32>} : memref<2x512xf32, #tpu.memory_space<vmem>>, vector<16xf32>,
      %bitcast3A_778 = vector.bitcast %get3A_777 : vector<16xf32> to vector<16xi32>
      %swap3A_779 = arith.constant 1 : i32
      %swap3A_780 = arith.index_cast %swap3A_779 : i32 to index
      %swap3A_781 = arith.constant 384 : index
      %swap3A_782 = tpu.vector_load %arg6[%swap3A_780, %swap3A_781] {strides = array<i32>} : memref<2x512xi32, #tpu.memory_space<vmem>>, vector<16xi32>,
      tpu.vector_store %arg6[%swap3A_780, %swap3A_781], %bitcast3A_778 {strides = array<i32>} : memref<2x512xi32, #tpu.memory_space<vmem>>, vector<16xi32>,
      %get3A_783 = arith.constant 1 : i32
      %get3A_784 = arith.index_cast %get3A_783 : i32 to index
      %get3A_785 = arith.constant 400 : index
      %get3A_786 = tpu.vector_load %arg5[%get3A_784, %get3A_785] {strides = array<i32>} : memref<2x512xf32, #tpu.memory_space<vmem>>, vector<16xf32>,
      %bitcast3A_787 = vector.bitcast %get3A_786 : vector<16xf32> to vector<16xi32>
      %swap3A_788 = arith.constant 1 : i32
      %swap3A_789 = arith.index_cast %swap3A_788 : i32 to index
      %swap3A_790 = arith.constant 400 : index
      %swap3A_791 = tpu.vector_load %arg6[%swap3A_789, %swap3A_790] {strides = array<i32>} : memref<2x512xi32, #tpu.memory_space<vmem>>, vector<16xi32>,
      tpu.vector_store %arg6[%swap3A_789, %swap3A_790], %bitcast3A_787 {strides = array<i32>} : memref<2x512xi32, #tpu.memory_space<vmem>>, vector<16xi32>,
      %get3A_792 = arith.constant 1 : i32
      %get3A_793 = arith.index_cast %get3A_792 : i32 to index
      %get3A_794 = arith.constant 416 : index
      %get3A_795 = tpu.vector_load %arg5[%get3A_793, %get3A_794] {strides = array<i32>} : memref<2x512xf32, #tpu.memory_space<vmem>>, vector<16xf32>,
      %bitcast3A_796 = vector.bitcast %get3A_795 : vector<16xf32> to vector<16xi32>
      %swap3A_797 = arith.constant 1 : i32
      %swap3A_798 = arith.index_cast %swap3A_797 : i32 to index
      %swap3A_799 = arith.constant 416 : index
      %swap3A_800 = tpu.vector_load %arg6[%swap3A_798, %swap3A_799] {strides = array<i32>} : memref<2x512xi32, #tpu.memory_space<vmem>>, vector<16xi32>,
      tpu.vector_store %arg6[%swap3A_798, %swap3A_799], %bitcast3A_796 {strides = array<i32>} : memref<2x512xi32, #tpu.memory_space<vmem>>, vector<16xi32>,
      %get3A_801 = arith.constant 1 : i32
      %get3A_802 = arith.index_cast %get3A_801 : i32 to index
      %get3A_803 = arith.constant 432 : index
      %get3A_804 = tpu.vector_load %arg5[%get3A_802, %get3A_803] {strides = array<i32>} : memref<2x512xf32, #tpu.memory_space<vmem>>, vector<16xf32>,
      %bitcast3A_805 = vector.bitcast %get3A_804 : vector<16xf32> to vector<16xi32>
      %swap3A_806 = arith.constant 1 : i32
      %swap3A_807 = arith.index_cast %swap3A_806 : i32 to index
      %swap3A_808 = arith.constant 432 : index
      %swap3A_809 = tpu.vector_load %arg6[%swap3A_807, %swap3A_808] {strides = array<i32>} : memref<2x512xi32, #tpu.memory_space<vmem>>, vector<16xi32>,
      tpu.vector_store %arg6[%swap3A_807, %swap3A_808], %bitcast3A_805 {strides = array<i32>} : memref<2x512xi32, #tpu.memory_space<vmem>>, vector<16xi32>,
      %get3A_810 = arith.constant 1 : i32
      %get3A_811 = arith.index_cast %get3A_810 : i32 to index
      %get3A_812 = arith.constant 448 : index
      %get3A_813 = tpu.vector_load %arg5[%get3A_811, %get3A_812] {strides = array<i32>} : memref<2x512xf32, #tpu.memory_space<vmem>>, vector<16xf32>,
      %bitcast3A_814 = vector.bitcast %get3A_813 : vector<16xf32> to vector<16xi32>
      %swap3A_815 = arith.constant 1 : i32
      %swap3A_816 = arith.index_cast %swap3A_815 : i32 to index
      %swap3A_817 = arith.constant 448 : index
      %swap3A_818 = tpu.vector_load %arg6[%swap3A_816, %swap3A_817] {strides = array<i32>} : memref<2x512xi32, #tpu.memory_space<vmem>>, vector<16xi32>,
      tpu.vector_store %arg6[%swap3A_816, %swap3A_817], %bitcast3A_814 {strides = array<i32>} : memref<2x512xi32, #tpu.memory_space<vmem>>, vector<16xi32>,
      %get3A_819 = arith.constant 1 : i32
      %get3A_820 = arith.index_cast %get3A_819 : i32 to index
      %get3A_821 = arith.constant 464 : index
      %get3A_822 = tpu.vector_load %arg5[%get3A_820, %get3A_821] {strides = array<i32>} : memref<2x512xf32, #tpu.memory_space<vmem>>, vector<16xf32>,
      %bitcast3A_823 = vector.bitcast %get3A_822 : vector<16xf32> to vector<16xi32>
      %swap3A_824 = arith.constant 1 : i32
      %swap3A_825 = arith.index_cast %swap3A_824 : i32 to index
      %swap3A_826 = arith.constant 464 : index
      %swap3A_827 = tpu.vector_load %arg6[%swap3A_825, %swap3A_826] {strides = array<i32>} : memref<2x512xi32, #tpu.memory_space<vmem>>, vector<16xi32>,
      tpu.vector_store %arg6[%swap3A_825, %swap3A_826], %bitcast3A_823 {strides = array<i32>} : memref<2x512xi32, #tpu.memory_space<vmem>>, vector<16xi32>,
      %get3A_828 = arith.constant 1 : i32
      %get3A_829 = arith.index_cast %get3A_828 : i32 to index
      %get3A_830 = arith.constant 480 : index
      %get3A_831 = tpu.vector_load %arg5[%get3A_829, %get3A_830] {strides = array<i32>} : memref<2x512xf32, #tpu.memory_space<vmem>>, vector<16xf32>,
      %bitcast3A_832 = vector.bitcast %get3A_831 : vector<16xf32> to vector<16xi32>
      %swap3A_833 = arith.constant 1 : i32
      %swap3A_834 = arith.index_cast %swap3A_833 : i32 to index
      %swap3A_835 = arith.constant 480 : index
      %swap3A_836 = tpu.vector_load %arg6[%swap3A_834, %swap3A_835] {strides = array<i32>} : memref<2x512xi32, #tpu.memory_space<vmem>>, vector<16xi32>,
      tpu.vector_store %arg6[%swap3A_834, %swap3A_835], %bitcast3A_832 {strides = array<i32>} : memref<2x512xi32, #tpu.memory_space<vmem>>, vector<16xi32>,
      %get3A_837 = arith.constant 1 : i32
      %get3A_838 = arith.index_cast %get3A_837 : i32 to index
      %get3A_839 = arith.constant 496 : index
      %get3A_840 = tpu.vector_load %arg5[%get3A_838, %get3A_839] {strides = array<i32>} : memref<2x512xf32, #tpu.memory_space<vmem>>, vector<16xf32>,
      %bitcast3A_841 = vector.bitcast %get3A_840 : vector<16xf32> to vector<16xi32>
      %swap3A_842 = arith.constant 1 : i32
      %swap3A_843 = arith.index_cast %swap3A_842 : i32 to index
      %swap3A_844 = arith.constant 496 : index
      %swap3A_845 = tpu.vector_load %arg6[%swap3A_843, %swap3A_844] {strides = array<i32>} : memref<2x512xi32, #tpu.memory_space<vmem>>, vector<16xi32>,
      tpu.vector_store %arg6[%swap3A_843, %swap3A_844], %bitcast3A_841 {strides = array<i32>} : memref<2x512xi32, #tpu.memory_space<vmem>>, vector<16xi32>,
      %dma_start3A_846 = arith.constant 1 : i32
      %dma_start3A_847 = arith.constant 1 : i32
      %dma_start3A_848 = arith.constant 0 : i32
      %dma_start3A_849 = arith.constant 0 : i32
      %dma_start3A_850 = tpu.memref_slice %arg7[%dma_start3A_847, %dma_start3A_848, %dma_start3A_849] : memref<2x512x32xf32, #tpu.memory_space<vmem>> -> memref<1x128x32xf32, #tpu.memory_space<vmem>>
      %dma_start3A_851 = tpu.memref_squeeze %dma_start3A_850 : memref<1x128x32xf32, #tpu.memory_space<vmem>> -> memref<128x32xf32, #tpu.memory_space<vmem>>
      %dma_start3A_852 = arith.constant 0 : i32
      %dma_start3A_853 = tpu.memref_slice %arg6[%dma_start3A_846, %dma_start3A_852] : memref<2x512xi32, #tpu.memory_space<vmem>> -> memref<1x128xi32, #tpu.memory_space<vmem>>
      %dma_start3A_854 = tpu.memref_squeeze %dma_start3A_853 : memref<1x128xi32, #tpu.memory_space<vmem>> -> memref<128xi32, #tpu.memory_space<vmem>>
      %dma_start3A_855 = arith.constant 0 : i32
      %dma_start3A_856 = arith.constant 0 : i32
      %dma_start3A_857 = tpu.memref_slice %arg2[%dma_start3A_855, %dma_start3A_856] : memref<1000000x32xf32, #tpu.memory_space<hbm>> -> memref<1000000x32xf32, #tpu.memory_space<hbm>>
      tpu.enqueue_indirect_dma source(%dma_start3A_857 : memref<1000000x32xf32, #tpu.memory_space<hbm>>) target(%dma_start3A_851 : memref<128x32xf32, #tpu.memory_space<vmem>>) offsets(%dma_start3A_854 : memref<128xi32, #tpu.memory_space<vmem>>) semaphore(%arg9 : memref<!tpu.dma_semaphore, #tpu.memory_space<semaphore_mem>>)
      %dma_start3A_858 = arith.constant 1 : i32
      %dma_start3A_859 = arith.constant 1 : i32
      %dma_start3A_860 = arith.constant 128 : i32
      %dma_start3A_861 = arith.constant 0 : i32
      %dma_start3A_862 = tpu.memref_slice %arg7[%dma_start3A_859, %dma_start3A_860, %dma_start3A_861] : memref<2x512x32xf32, #tpu.memory_space<vmem>> -> memref<1x128x32xf32, #tpu.memory_space<vmem>>
      %dma_start3A_863 = tpu.memref_squeeze %dma_start3A_862 : memref<1x128x32xf32, #tpu.memory_space<vmem>> -> memref<128x32xf32, #tpu.memory_space<vmem>>
      %dma_start3A_864 = arith.constant 128 : i32
      %dma_start3A_865 = tpu.memref_slice %arg6[%dma_start3A_858, %dma_start3A_864] : memref<2x512xi32, #tpu.memory_space<vmem>> -> memref<1x128xi32, #tpu.memory_space<vmem>>
      %dma_start3A_866 = tpu.memref_squeeze %dma_start3A_865 : memref<1x128xi32, #tpu.memory_space<vmem>> -> memref<128xi32, #tpu.memory_space<vmem>>
      %dma_start3A_867 = arith.constant 0 : i32
      %dma_start3A_868 = arith.constant 0 : i32
      %dma_start3A_869 = tpu.memref_slice %arg2[%dma_start3A_867, %dma_start3A_868] : memref<1000000x32xf32, #tpu.memory_space<hbm>> -> memref<1000000x32xf32, #tpu.memory_space<hbm>>
      tpu.enqueue_indirect_dma source(%dma_start3A_869 : memref<1000000x32xf32, #tpu.memory_space<hbm>>) target(%dma_start3A_863 : memref<128x32xf32, #tpu.memory_space<vmem>>) offsets(%dma_start3A_866 : memref<128xi32, #tpu.memory_space<vmem>>) semaphore(%arg9 : memref<!tpu.dma_semaphore, #tpu.memory_space<semaphore_mem>>)
      %dma_start3A_870 = arith.constant 1 : i32
      %dma_start3A_871 = arith.constant 1 : i32
      %dma_start3A_872 = arith.constant 256 : i32
      %dma_start3A_873 = arith.constant 0 : i32
      %dma_start3A_874 = tpu.memref_slice %arg7[%dma_start3A_871, %dma_start3A_872, %dma_start3A_873] : memref<2x512x32xf32, #tpu.memory_space<vmem>> -> memref<1x128x32xf32, #tpu.memory_space<vmem>>
      %dma_start3A_875 = tpu.memref_squeeze %dma_start3A_874 : memref<1x128x32xf32, #tpu.memory_space<vmem>> -> memref<128x32xf32, #tpu.memory_space<vmem>>
      %dma_start3A_876 = arith.constant 256 : i32
      %dma_start3A_877 = tpu.memref_slice %arg6[%dma_start3A_870, %dma_start3A_876] : memref<2x512xi32, #tpu.memory_space<vmem>> -> memref<1x128xi32, #tpu.memory_space<vmem>>
      %dma_start3A_878 = tpu.memref_squeeze %dma_start3A_877 : memref<1x128xi32, #tpu.memory_space<vmem>> -> memref<128xi32, #tpu.memory_space<vmem>>
      %dma_start3A_879 = arith.constant 0 : i32
      %dma_start3A_880 = arith.constant 0 : i32
      %dma_start3A_881 = tpu.memref_slice %arg2[%dma_start3A_879, %dma_start3A_880] : memref<1000000x32xf32, #tpu.memory_space<hbm>> -> memref<1000000x32xf32, #tpu.memory_space<hbm>>
      tpu.enqueue_indirect_dma source(%dma_start3A_881 : memref<1000000x32xf32, #tpu.memory_space<hbm>>) target(%dma_start3A_875 : memref<128x32xf32, #tpu.memory_space<vmem>>) offsets(%dma_start3A_878 : memref<128xi32, #tpu.memory_space<vmem>>) semaphore(%arg9 : memref<!tpu.dma_semaphore, #tpu.memory_space<semaphore_mem>>)
      %dma_start3A_882 = arith.constant 1 : i32
      %dma_start3A_883 = arith.constant 1 : i32
      %dma_start3A_884 = arith.constant 384 : i32
      %dma_start3A_885 = arith.constant 0 : i32
      %dma_start3A_886 = tpu.memref_slice %arg7[%dma_start3A_883, %dma_start3A_884, %dma_start3A_885] : memref<2x512x32xf32, #tpu.memory_space<vmem>> -> memref<1x128x32xf32, #tpu.memory_space<vmem>>
      %dma_start3A_887 = tpu.memref_squeeze %dma_start3A_886 : memref<1x128x32xf32, #tpu.memory_space<vmem>> -> memref<128x32xf32, #tpu.memory_space<vmem>>
      %dma_start3A_888 = arith.constant 384 : i32
      %dma_start3A_889 = tpu.memref_slice %arg6[%dma_start3A_882, %dma_start3A_888] : memref<2x512xi32, #tpu.memory_space<vmem>> -> memref<1x128xi32, #tpu.memory_space<vmem>>
      %dma_start3A_890 = tpu.memref_squeeze %dma_start3A_889 : memref<1x128xi32, #tpu.memory_space<vmem>> -> memref<128xi32, #tpu.memory_space<vmem>>
      %dma_start3A_891 = arith.constant 0 : i32
      %dma_start3A_892 = arith.constant 0 : i32
      %dma_start3A_893 = tpu.memref_slice %arg2[%dma_start3A_891, %dma_start3A_892] : memref<1000000x32xf32, #tpu.memory_space<hbm>> -> memref<1000000x32xf32, #tpu.memory_space<hbm>>
      tpu.enqueue_indirect_dma source(%dma_start3A_893 : memref<1000000x32xf32, #tpu.memory_space<hbm>>) target(%dma_start3A_887 : memref<128x32xf32, #tpu.memory_space<vmem>>) offsets(%dma_start3A_890 : memref<128xi32, #tpu.memory_space<vmem>>) semaphore(%arg9 : memref<!tpu.dma_semaphore, #tpu.memory_space<semaphore_mem>>)
      %add3A_894 = arith.addi %mul3A_2, %add3A_126 : i32
      %add3A_895 = arith.constant 0 : i32
      %add3A_896 = arith.addi %add3A_894, %add3A_895 : i32
      %jit3A_897 = arith.constant 32 : i32
      %div3A_898 = arith.divsi %add3A_896, %jit3A_897 : i32
      %sign3A_899 = arith.constant 0 : i32
      %sign3A_900 = arith.cmpi sgt, %add3A_896, %sign3A_899 : i32
      %sign3A_901 = arith.extui %sign3A_900 : i1 to i32
      %sign3A_902 = arith.constant 0 : i32
      %sign3A_903 = arith.cmpi slt, %add3A_896, %sign3A_902 : i32
      %sign3A_904 = arith.extui %sign3A_903 : i1 to i32
      %sign3A_905 = arith.subi %sign3A_901, %sign3A_904 : i32
      %sign3A_906 = arith.constant 0 : i32
      %sign3A_907 = arith.cmpi sgt, %jit3A_897, %sign3A_906 : i32
      %sign3A_908 = arith.extui %sign3A_907 : i1 to i32
      %sign3A_909 = arith.constant 0 : i32
      %sign3A_910 = arith.cmpi slt, %jit3A_897, %sign3A_909 : i32
      %sign3A_911 = arith.extui %sign3A_910 : i1 to i32
      %sign3A_912 = arith.subi %sign3A_908, %sign3A_911 : i32
      %ne3A_913 = arith.cmpi ne, %sign3A_905, %sign3A_912 : i32
      %rem3A_914 = arith.remsi %add3A_896, %jit3A_897 : i32
      %ne3A_915 = arith.constant 0 : i32
      %ne3A_916 = arith.cmpi ne, %rem3A_914, %ne3A_915 : i32
      %and3A_917 = arith.andi %ne3A_913, %ne3A_916 : i1
      %sub3A_918 = arith.constant 1 : i32
      %sub3A_919 = arith.subi %div3A_898, %sub3A_918 : i32
      %select_n3A_920 = arith.select %and3A_917, %sub3A_919, %div3A_898 : i32
      %jit3A_921 = arith.constant 32 : i32
      %eq3A_922 = arith.constant 0 : i32
      %eq3A_923 = arith.cmpi eq, %jit3A_921, %eq3A_922 : i32
      %jit3A_924 = arith.constant 1 : i32
      %select_n3A_925 = arith.select %eq3A_923, %jit3A_924, %jit3A_921 : i32
      %rem3A_926 = arith.remsi %add3A_896, %select_n3A_925 : i32
      %ne3A_927 = arith.constant 0 : i32
      %ne3A_928 = arith.cmpi ne, %rem3A_926, %ne3A_927 : i32
      %lt3A_929 = arith.constant 0 : i32
      %lt3A_930 = arith.cmpi slt, %rem3A_926, %lt3A_929 : i32
      %lt3A_931 = arith.constant 0 : i32
      %lt3A_932 = arith.cmpi slt, %select_n3A_925, %lt3A_931 : i32
      %ne3A_933 = arith.xori %lt3A_930, %lt3A_932 : i1
      %and3A_934 = arith.andi %ne3A_933, %ne3A_928 : i1
      %add3A_935 = arith.addi %rem3A_926, %select_n3A_925 : i32
      %select_n3A_936 = arith.select %and3A_934, %add3A_935, %rem3A_926 : i32
      %mul3A_937 = arith.constant 512 : i32
      %mul3A_938 = arith.muli %select_n3A_936, %mul3A_937 : i32
      %dma_wait3A_939 = arith.constant 0 : i32
      %dma_wait3A_940 = arith.constant 0 : i32
      %dma_wait3A_941 = arith.constant 0 : i32
      %dma_wait3A_942 = arith.constant 0 : i32
      %dma_wait3A_943 = tpu.memref_slice %arg7[%dma_wait3A_940, %dma_wait3A_941, %dma_wait3A_942] : memref<2x512x32xf32, #tpu.memory_space<vmem>> -> memref<1x128x32xf32, #tpu.memory_space<vmem>>
      %dma_wait3A_944 = tpu.memref_squeeze %dma_wait3A_943 : memref<1x128x32xf32, #tpu.memory_space<vmem>> -> memref<128x32xf32, #tpu.memory_space<vmem>>
      %dma_wait3A_945 = arith.constant 0 : i32
      %dma_wait3A_946 = tpu.memref_slice %arg6[%dma_wait3A_939, %dma_wait3A_945] : memref<2x512xi32, #tpu.memory_space<vmem>> -> memref<1x128xi32, #tpu.memory_space<vmem>>
      %dma_wait3A_947 = tpu.memref_squeeze %dma_wait3A_946 : memref<1x128xi32, #tpu.memory_space<vmem>> -> memref<128xi32, #tpu.memory_space<vmem>>
      %dma_wait3A_948 = arith.constant 0 : i32
      %dma_wait3A_949 = arith.constant 0 : i32
      %dma_wait3A_950 = tpu.memref_slice %arg2[%dma_wait3A_948, %dma_wait3A_949] : memref<1000000x32xf32, #tpu.memory_space<hbm>> -> memref<1000000x32xf32, #tpu.memory_space<hbm>>
      tpu.wait_indirect_dma semaphore(%arg8 : memref<!tpu.dma_semaphore, #tpu.memory_space<semaphore_mem>>) src(%dma_wait3A_950 : memref<1000000x32xf32, #tpu.memory_space<hbm>>) dst(%dma_wait3A_944 : memref<128x32xf32, #tpu.memory_space<vmem>>)
      %dma_wait3A_951 = arith.constant 0 : i32
      %dma_wait3A_952 = arith.constant 0 : i32
      %dma_wait3A_953 = arith.constant 128 : i32
      %dma_wait3A_954 = arith.constant 0 : i32
      %dma_wait3A_955 = tpu.memref_slice %arg7[%dma_wait3A_952, %dma_wait3A_953, %dma_wait3A_954] : memref<2x512x32xf32, #tpu.memory_space<vmem>> -> memref<1x128x32xf32, #tpu.memory_space<vmem>>
      %dma_wait3A_956 = tpu.memref_squeeze %dma_wait3A_955 : memref<1x128x32xf32, #tpu.memory_space<vmem>> -> memref<128x32xf32, #tpu.memory_space<vmem>>
      %dma_wait3A_957 = arith.constant 128 : i32
      %dma_wait3A_958 = tpu.memref_slice %arg6[%dma_wait3A_951, %dma_wait3A_957] : memref<2x512xi32, #tpu.memory_space<vmem>> -> memref<1x128xi32, #tpu.memory_space<vmem>>
      %dma_wait3A_959 = tpu.memref_squeeze %dma_wait3A_958 : memref<1x128xi32, #tpu.memory_space<vmem>> -> memref<128xi32, #tpu.memory_space<vmem>>
      %dma_wait3A_960 = arith.constant 0 : i32
      %dma_wait3A_961 = arith.constant 0 : i32
      %dma_wait3A_962 = tpu.memref_slice %arg2[%dma_wait3A_960, %dma_wait3A_961] : memref<1000000x32xf32, #tpu.memory_space<hbm>> -> memref<1000000x32xf32, #tpu.memory_space<hbm>>
      tpu.wait_indirect_dma semaphore(%arg8 : memref<!tpu.dma_semaphore, #tpu.memory_space<semaphore_mem>>) src(%dma_wait3A_962 : memref<1000000x32xf32, #tpu.memory_space<hbm>>) dst(%dma_wait3A_956 : memref<128x32xf32, #tpu.memory_space<vmem>>)
      %dma_wait3A_963 = arith.constant 0 : i32
      %dma_wait3A_964 = arith.constant 0 : i32
      %dma_wait3A_965 = arith.constant 256 : i32
      %dma_wait3A_966 = arith.constant 0 : i32
      %dma_wait3A_967 = tpu.memref_slice %arg7[%dma_wait3A_964, %dma_wait3A_965, %dma_wait3A_966] : memref<2x512x32xf32, #tpu.memory_space<vmem>> -> memref<1x128x32xf32, #tpu.memory_space<vmem>>
      %dma_wait3A_968 = tpu.memref_squeeze %dma_wait3A_967 : memref<1x128x32xf32, #tpu.memory_space<vmem>> -> memref<128x32xf32, #tpu.memory_space<vmem>>
      %dma_wait3A_969 = arith.constant 256 : i32
      %dma_wait3A_970 = tpu.memref_slice %arg6[%dma_wait3A_963, %dma_wait3A_969] : memref<2x512xi32, #tpu.memory_space<vmem>> -> memref<1x128xi32, #tpu.memory_space<vmem>>
      %dma_wait3A_971 = tpu.memref_squeeze %dma_wait3A_970 : memref<1x128xi32, #tpu.memory_space<vmem>> -> memref<128xi32, #tpu.memory_space<vmem>>
      %dma_wait3A_972 = arith.constant 0 : i32
      %dma_wait3A_973 = arith.constant 0 : i32
      %dma_wait3A_974 = tpu.memref_slice %arg2[%dma_wait3A_972, %dma_wait3A_973] : memref<1000000x32xf32, #tpu.memory_space<hbm>> -> memref<1000000x32xf32, #tpu.memory_space<hbm>>
      tpu.wait_indirect_dma semaphore(%arg8 : memref<!tpu.dma_semaphore, #tpu.memory_space<semaphore_mem>>) src(%dma_wait3A_974 : memref<1000000x32xf32, #tpu.memory_space<hbm>>) dst(%dma_wait3A_968 : memref<128x32xf32, #tpu.memory_space<vmem>>)
      %dma_wait3A_975 = arith.constant 0 : i32
      %dma_wait3A_976 = arith.constant 0 : i32
      %dma_wait3A_977 = arith.constant 384 : i32
      %dma_wait3A_978 = arith.constant 0 : i32
      %dma_wait3A_979 = tpu.memref_slice %arg7[%dma_wait3A_976, %dma_wait3A_977, %dma_wait3A_978] : memref<2x512x32xf32, #tpu.memory_space<vmem>> -> memref<1x128x32xf32, #tpu.memory_space<vmem>>
      %dma_wait3A_980 = tpu.memref_squeeze %dma_wait3A_979 : memref<1x128x32xf32, #tpu.memory_space<vmem>> -> memref<128x32xf32, #tpu.memory_space<vmem>>
      %dma_wait3A_981 = arith.constant 384 : i32
      %dma_wait3A_982 = tpu.memref_slice %arg6[%dma_wait3A_975, %dma_wait3A_981] : memref<2x512xi32, #tpu.memory_space<vmem>> -> memref<1x128xi32, #tpu.memory_space<vmem>>
      %dma_wait3A_983 = tpu.memref_squeeze %dma_wait3A_982 : memref<1x128xi32, #tpu.memory_space<vmem>> -> memref<128xi32, #tpu.memory_space<vmem>>
      %dma_wait3A_984 = arith.constant 0 : i32
      %dma_wait3A_985 = arith.constant 0 : i32
      %dma_wait3A_986 = tpu.memref_slice %arg2[%dma_wait3A_984, %dma_wait3A_985] : memref<1000000x32xf32, #tpu.memory_space<hbm>> -> memref<1000000x32xf32, #tpu.memory_space<hbm>>
      tpu.wait_indirect_dma semaphore(%arg8 : memref<!tpu.dma_semaphore, #tpu.memory_space<semaphore_mem>>) src(%dma_wait3A_986 : memref<1000000x32xf32, #tpu.memory_space<hbm>>) dst(%dma_wait3A_980 : memref<128x32xf32, #tpu.memory_space<vmem>>)
      %dma_start3A_987 = arith.constant 0 : i32
      %dma_start3A_988 = arith.constant 0 : i32
      %dma_start3A_989 = arith.constant 0 : i32
      %dma_start3A_990 = tpu.memref_slice %arg7[%dma_start3A_987, %dma_start3A_988, %dma_start3A_989] : memref<2x512x32xf32, #tpu.memory_space<vmem>> -> memref<1x512x32xf32, #tpu.memory_space<vmem>>
      %dma_start3A_991 = tpu.memref_squeeze %dma_start3A_990 : memref<1x512x32xf32, #tpu.memory_space<vmem>> -> memref<512x32xf32, #tpu.memory_space<vmem>>
      %dma_start3A_992 = arith.constant 0 : i32
      %dma_start3A_993 = tpu.memref_slice %arg4[%select_n3A_920, %mul3A_938, %dma_start3A_992] : memref<26x16384x32xf32, #tpu.memory_space<hbm>> -> memref<1x512x32xf32, #tpu.memory_space<hbm>>
      %dma_start3A_994 = tpu.memref_squeeze %dma_start3A_993 : memref<1x512x32xf32, #tpu.memory_space<hbm>> -> memref<512x32xf32, #tpu.memory_space<hbm>>
      %dma_start3A_995 = arith.constant 0 : i32
      %dma_start3A_996 = tpu.memref_slice %arg4[%select_n3A_920, %mul3A_938, %dma_start3A_995] : memref<26x16384x32xf32, #tpu.memory_space<hbm>> -> memref<1x512x32xf32, #tpu.memory_space<hbm>>
      %dma_start3A_997 = tpu.memref_squeeze %dma_start3A_996 : memref<1x512x32xf32, #tpu.memory_space<hbm>> -> memref<512x32xf32, #tpu.memory_space<hbm>>
      %dma_start3A_998 = arith.constant 0 : i32
      %dma_start3A_999 = arith.constant 0 : i32
      %dma_start3A_1000 = tpu.memref_slice %arg7[%dma_start3A_987, %dma_start3A_998, %dma_start3A_999] : memref<2x512x32xf32, #tpu.memory_space<vmem>> -> memref<1x512x32xf32, #tpu.memory_space<vmem>>
      %dma_start3A_1001 = tpu.memref_squeeze %dma_start3A_1000 : memref<1x512x32xf32, #tpu.memory_space<vmem>> -> memref<512x32xf32, #tpu.memory_space<vmem>>
      tpu.enqueue_dma source(%dma_start3A_1001 : memref<512x32xf32, #tpu.memory_space<vmem>>) target(%dma_start3A_997 : memref<512x32xf32, #tpu.memory_space<hbm>>) target_semaphore(%arg10 : memref<!tpu.dma_semaphore, #tpu.memory_space<semaphore_mem>>)
      %add3A_1002 = arith.addi %mul3A_2, %add3A_126 : i32
      %add3A_1003 = arith.constant 1 : i32
      %add3A_1004 = arith.addi %add3A_1002, %add3A_1003 : i32
      %jit3A_1005 = arith.constant 32 : i32
      %div3A_1006 = arith.divsi %add3A_1004, %jit3A_1005 : i32
      %sign3A_1007 = arith.constant 0 : i32
      %sign3A_1008 = arith.cmpi sgt, %add3A_1004, %sign3A_1007 : i32
      %sign3A_1009 = arith.extui %sign3A_1008 : i1 to i32
      %sign3A_1010 = arith.constant 0 : i32
      %sign3A_1011 = arith.cmpi slt, %add3A_1004, %sign3A_1010 : i32
      %sign3A_1012 = arith.extui %sign3A_1011 : i1 to i32
      %sign3A_1013 = arith.subi %sign3A_1009, %sign3A_1012 : i32
      %sign3A_1014 = arith.constant 0 : i32
      %sign3A_1015 = arith.cmpi sgt, %jit3A_1005, %sign3A_1014 : i32
      %sign3A_1016 = arith.extui %sign3A_1015 : i1 to i32
      %sign3A_1017 = arith.constant 0 : i32
      %sign3A_1018 = arith.cmpi slt, %jit3A_1005, %sign3A_1017 : i32
      %sign3A_1019 = arith.extui %sign3A_1018 : i1 to i32
      %sign3A_1020 = arith.subi %sign3A_1016, %sign3A_1019 : i32
      %ne3A_1021 = arith.cmpi ne, %sign3A_1013, %sign3A_1020 : i32
      %rem3A_1022 = arith.remsi %add3A_1004, %jit3A_1005 : i32
      %ne3A_1023 = arith.constant 0 : i32
      %ne3A_1024 = arith.cmpi ne, %rem3A_1022, %ne3A_1023 : i32
      %and3A_1025 = arith.andi %ne3A_1021, %ne3A_1024 : i1
      %sub3A_1026 = arith.constant 1 : i32
      %sub3A_1027 = arith.subi %div3A_1006, %sub3A_1026 : i32
      %select_n3A_1028 = arith.select %and3A_1025, %sub3A_1027, %div3A_1006 : i32
      %jit3A_1029 = arith.constant 32 : i32
      %eq3A_1030 = arith.constant 0 : i32
      %eq3A_1031 = arith.cmpi eq, %jit3A_1029, %eq3A_1030 : i32
      %jit3A_1032 = arith.constant 1 : i32
      %select_n3A_1033 = arith.select %eq3A_1031, %jit3A_1032, %jit3A_1029 : i32
      %rem3A_1034 = arith.remsi %add3A_1004, %select_n3A_1033 : i32
      %ne3A_1035 = arith.constant 0 : i32
      %ne3A_1036 = arith.cmpi ne, %rem3A_1034, %ne3A_1035 : i32
      %lt3A_1037 = arith.constant 0 : i32
      %lt3A_1038 = arith.cmpi slt, %rem3A_1034, %lt3A_1037 : i32
      %lt3A_1039 = arith.constant 0 : i32
      %lt3A_1040 = arith.cmpi slt, %select_n3A_1033, %lt3A_1039 : i32
      %ne3A_1041 = arith.xori %lt3A_1038, %lt3A_1040 : i1
      %and3A_1042 = arith.andi %ne3A_1041, %ne3A_1036 : i1
      %add3A_1043 = arith.addi %rem3A_1034, %select_n3A_1033 : i32
      %select_n3A_1044 = arith.select %and3A_1042, %add3A_1043, %rem3A_1034 : i32
      %mul3A_1045 = arith.constant 512 : i32
      %mul3A_1046 = arith.muli %select_n3A_1044, %mul3A_1045 : i32
      %dma_wait3A_1047 = arith.constant 1 : i32
      %dma_wait3A_1048 = arith.constant 1 : i32
      %dma_wait3A_1049 = arith.constant 0 : i32
      %dma_wait3A_1050 = arith.constant 0 : i32
      %dma_wait3A_1051 = tpu.memref_slice %arg7[%dma_wait3A_1048, %dma_wait3A_1049, %dma_wait3A_1050] : memref<2x512x32xf32, #tpu.memory_space<vmem>> -> memref<1x128x32xf32, #tpu.memory_space<vmem>>
      %dma_wait3A_1052 = tpu.memref_squeeze %dma_wait3A_1051 : memref<1x128x32xf32, #tpu.memory_space<vmem>> -> memref<128x32xf32, #tpu.memory_space<vmem>>
      %dma_wait3A_1053 = arith.constant 0 : i32
      %dma_wait3A_1054 = tpu.memref_slice %arg6[%dma_wait3A_1047, %dma_wait3A_1053] : memref<2x512xi32, #tpu.memory_space<vmem>> -> memref<1x128xi32, #tpu.memory_space<vmem>>
      %dma_wait3A_1055 = tpu.memref_squeeze %dma_wait3A_1054 : memref<1x128xi32, #tpu.memory_space<vmem>> -> memref<128xi32, #tpu.memory_space<vmem>>
      %dma_wait3A_1056 = arith.constant 0 : i32
      %dma_wait3A_1057 = arith.constant 0 : i32
      %dma_wait3A_1058 = tpu.memref_slice %arg2[%dma_wait3A_1056, %dma_wait3A_1057] : memref<1000000x32xf32, #tpu.memory_space<hbm>> -> memref<1000000x32xf32, #tpu.memory_space<hbm>>
      tpu.wait_indirect_dma semaphore(%arg9 : memref<!tpu.dma_semaphore, #tpu.memory_space<semaphore_mem>>) src(%dma_wait3A_1058 : memref<1000000x32xf32, #tpu.memory_space<hbm>>) dst(%dma_wait3A_1052 : memref<128x32xf32, #tpu.memory_space<vmem>>)
      %dma_wait3A_1059 = arith.constant 1 : i32
      %dma_wait3A_1060 = arith.constant 1 : i32
      %dma_wait3A_1061 = arith.constant 128 : i32
      %dma_wait3A_1062 = arith.constant 0 : i32
      %dma_wait3A_1063 = tpu.memref_slice %arg7[%dma_wait3A_1060, %dma_wait3A_1061, %dma_wait3A_1062] : memref<2x512x32xf32, #tpu.memory_space<vmem>> -> memref<1x128x32xf32, #tpu.memory_space<vmem>>
      %dma_wait3A_1064 = tpu.memref_squeeze %dma_wait3A_1063 : memref<1x128x32xf32, #tpu.memory_space<vmem>> -> memref<128x32xf32, #tpu.memory_space<vmem>>
      %dma_wait3A_1065 = arith.constant 128 : i32
      %dma_wait3A_1066 = tpu.memref_slice %arg6[%dma_wait3A_1059, %dma_wait3A_1065] : memref<2x512xi32, #tpu.memory_space<vmem>> -> memref<1x128xi32, #tpu.memory_space<vmem>>
      %dma_wait3A_1067 = tpu.memref_squeeze %dma_wait3A_1066 : memref<1x128xi32, #tpu.memory_space<vmem>> -> memref<128xi32, #tpu.memory_space<vmem>>
      %dma_wait3A_1068 = arith.constant 0 : i32
      %dma_wait3A_1069 = arith.constant 0 : i32
      %dma_wait3A_1070 = tpu.memref_slice %arg2[%dma_wait3A_1068, %dma_wait3A_1069] : memref<1000000x32xf32, #tpu.memory_space<hbm>> -> memref<1000000x32xf32, #tpu.memory_space<hbm>>
      tpu.wait_indirect_dma semaphore(%arg9 : memref<!tpu.dma_semaphore, #tpu.memory_space<semaphore_mem>>) src(%dma_wait3A_1070 : memref<1000000x32xf32, #tpu.memory_space<hbm>>) dst(%dma_wait3A_1064 : memref<128x32xf32, #tpu.memory_space<vmem>>)
      %dma_wait3A_1071 = arith.constant 1 : i32
      %dma_wait3A_1072 = arith.constant 1 : i32
      %dma_wait3A_1073 = arith.constant 256 : i32
      %dma_wait3A_1074 = arith.constant 0 : i32
      %dma_wait3A_1075 = tpu.memref_slice %arg7[%dma_wait3A_1072, %dma_wait3A_1073, %dma_wait3A_1074] : memref<2x512x32xf32, #tpu.memory_space<vmem>> -> memref<1x128x32xf32, #tpu.memory_space<vmem>>
      %dma_wait3A_1076 = tpu.memref_squeeze %dma_wait3A_1075 : memref<1x128x32xf32, #tpu.memory_space<vmem>> -> memref<128x32xf32, #tpu.memory_space<vmem>>
      %dma_wait3A_1077 = arith.constant 256 : i32
      %dma_wait3A_1078 = tpu.memref_slice %arg6[%dma_wait3A_1071, %dma_wait3A_1077] : memref<2x512xi32, #tpu.memory_space<vmem>> -> memref<1x128xi32, #tpu.memory_space<vmem>>
      %dma_wait3A_1079 = tpu.memref_squeeze %dma_wait3A_1078 : memref<1x128xi32, #tpu.memory_space<vmem>> -> memref<128xi32, #tpu.memory_space<vmem>>
      %dma_wait3A_1080 = arith.constant 0 : i32
      %dma_wait3A_1081 = arith.constant 0 : i32
      %dma_wait3A_1082 = tpu.memref_slice %arg2[%dma_wait3A_1080, %dma_wait3A_1081] : memref<1000000x32xf32, #tpu.memory_space<hbm>> -> memref<1000000x32xf32, #tpu.memory_space<hbm>>
      tpu.wait_indirect_dma semaphore(%arg9 : memref<!tpu.dma_semaphore, #tpu.memory_space<semaphore_mem>>) src(%dma_wait3A_1082 : memref<1000000x32xf32, #tpu.memory_space<hbm>>) dst(%dma_wait3A_1076 : memref<128x32xf32, #tpu.memory_space<vmem>>)
      %dma_wait3A_1083 = arith.constant 1 : i32
      %dma_wait3A_1084 = arith.constant 1 : i32
      %dma_wait3A_1085 = arith.constant 384 : i32
      %dma_wait3A_1086 = arith.constant 0 : i32
      %dma_wait3A_1087 = tpu.memref_slice %arg7[%dma_wait3A_1084, %dma_wait3A_1085, %dma_wait3A_1086] : memref<2x512x32xf32, #tpu.memory_space<vmem>> -> memref<1x128x32xf32, #tpu.memory_space<vmem>>
      %dma_wait3A_1088 = tpu.memref_squeeze %dma_wait3A_1087 : memref<1x128x32xf32, #tpu.memory_space<vmem>> -> memref<128x32xf32, #tpu.memory_space<vmem>>
      %dma_wait3A_1089 = arith.constant 384 : i32
      %dma_wait3A_1090 = tpu.memref_slice %arg6[%dma_wait3A_1083, %dma_wait3A_1089] : memref<2x512xi32, #tpu.memory_space<vmem>> -> memref<1x128xi32, #tpu.memory_space<vmem>>
      %dma_wait3A_1091 = tpu.memref_squeeze %dma_wait3A_1090 : memref<1x128xi32, #tpu.memory_space<vmem>> -> memref<128xi32, #tpu.memory_space<vmem>>
      %dma_wait3A_1092 = arith.constant 0 : i32
      %dma_wait3A_1093 = arith.constant 0 : i32
      %dma_wait3A_1094 = tpu.memref_slice %arg2[%dma_wait3A_1092, %dma_wait3A_1093] : memref<1000000x32xf32, #tpu.memory_space<hbm>> -> memref<1000000x32xf32, #tpu.memory_space<hbm>>
      tpu.wait_indirect_dma semaphore(%arg9 : memref<!tpu.dma_semaphore, #tpu.memory_space<semaphore_mem>>) src(%dma_wait3A_1094 : memref<1000000x32xf32, #tpu.memory_space<hbm>>) dst(%dma_wait3A_1088 : memref<128x32xf32, #tpu.memory_space<vmem>>)
      %dma_start3A_1095 = arith.constant 1 : i32
      %dma_start3A_1096 = arith.constant 0 : i32
      %dma_start3A_1097 = arith.constant 0 : i32
      %dma_start3A_1098 = tpu.memref_slice %arg7[%dma_start3A_1095, %dma_start3A_1096, %dma_start3A_1097] : memref<2x512x32xf32, #tpu.memory_space<vmem>> -> memref<1x512x32xf32, #tpu.memory_space<vmem>>
      %dma_start3A_1099 = tpu.memref_squeeze %dma_start3A_1098 : memref<1x512x32xf32, #tpu.memory_space<vmem>> -> memref<512x32xf32, #tpu.memory_space<vmem>>
      %dma_start3A_1100 = arith.constant 0 : i32
      %dma_start3A_1101 = tpu.memref_slice %arg4[%select_n3A_1028, %mul3A_1046, %dma_start3A_1100] : memref<26x16384x32xf32, #tpu.memory_space<hbm>> -> memref<1x512x32xf32, #tpu.memory_space<hbm>>
      %dma_start3A_1102 = tpu.memref_squeeze %dma_start3A_1101 : memref<1x512x32xf32, #tpu.memory_space<hbm>> -> memref<512x32xf32, #tpu.memory_space<hbm>>
      %dma_start3A_1103 = arith.constant 0 : i32
      %dma_start3A_1104 = tpu.memref_slice %arg4[%select_n3A_1028, %mul3A_1046, %dma_start3A_1103] : memref<26x16384x32xf32, #tpu.memory_space<hbm>> -> memref<1x512x32xf32, #tpu.memory_space<hbm>>
      %dma_start3A_1105 = tpu.memref_squeeze %dma_start3A_1104 : memref<1x512x32xf32, #tpu.memory_space<hbm>> -> memref<512x32xf32, #tpu.memory_space<hbm>>
      %dma_start3A_1106 = arith.constant 0 : i32
      %dma_start3A_1107 = arith.constant 0 : i32
      %dma_start3A_1108 = tpu.memref_slice %arg7[%dma_start3A_1095, %dma_start3A_1106, %dma_start3A_1107] : memref<2x512x32xf32, #tpu.memory_space<vmem>> -> memref<1x512x32xf32, #tpu.memory_space<vmem>>
      %dma_start3A_1109 = tpu.memref_squeeze %dma_start3A_1108 : memref<1x512x32xf32, #tpu.memory_space<vmem>> -> memref<512x32xf32, #tpu.memory_space<vmem>>
      tpu.enqueue_dma source(%dma_start3A_1109 : memref<512x32xf32, #tpu.memory_space<vmem>>) target(%dma_start3A_1105 : memref<512x32xf32, #tpu.memory_space<hbm>>) target_semaphore(%arg11 : memref<!tpu.dma_semaphore, #tpu.memory_space<semaphore_mem>>)
    }
    %scan3A_6 = arith.constant 13 : i32
    %add3A_7 = arith.constant 26 : i32
    %add3A_8 = arith.addi %mul3A_2, %add3A_7 : i32
    %sub3A = arith.constant 2 : i32
    %sub3A_9 = arith.subi %add3A_8, %sub3A : i32
    %add3A_10 = arith.constant 0 : i32
    %add3A_11 = arith.addi %sub3A_9, %add3A_10 : i32
    %jit3A = arith.constant 32 : i32
    %div3A = arith.divsi %add3A_11, %jit3A : i32
    %sign3A = arith.constant 0 : i32
    %sign3A_12 = arith.cmpi sgt, %add3A_11, %sign3A : i32
    %sign3A_13 = arith.extui %sign3A_12 : i1 to i32
    %sign3A_14 = arith.constant 0 : i32
    %sign3A_15 = arith.cmpi slt, %add3A_11, %sign3A_14 : i32
    %sign3A_16 = arith.extui %sign3A_15 : i1 to i32
    %sign3A_17 = arith.subi %sign3A_13, %sign3A_16 : i32
    %sign3A_18 = arith.constant 0 : i32
    %sign3A_19 = arith.cmpi sgt, %jit3A, %sign3A_18 : i32
    %sign3A_20 = arith.extui %sign3A_19 : i1 to i32
    %sign3A_21 = arith.constant 0 : i32
    %sign3A_22 = arith.cmpi slt, %jit3A, %sign3A_21 : i32
    %sign3A_23 = arith.extui %sign3A_22 : i1 to i32
    %sign3A_24 = arith.subi %sign3A_20, %sign3A_23 : i32
    %ne3A = arith.cmpi ne, %sign3A_17, %sign3A_24 : i32
    %rem3A = arith.remsi %add3A_11, %jit3A : i32
    %ne3A_25 = arith.constant 0 : i32
    %ne3A_26 = arith.cmpi ne, %rem3A, %ne3A_25 : i32
    %and3A = arith.andi %ne3A, %ne3A_26 : i1
    %sub3A_27 = arith.constant 1 : i32
    %sub3A_28 = arith.subi %div3A, %sub3A_27 : i32
    %select_n3A = arith.select %and3A, %sub3A_28, %div3A : i32
    %jit3A_29 = arith.constant 32 : i32
    %eq3A = arith.constant 0 : i32
    %eq3A_30 = arith.cmpi eq, %jit3A_29, %eq3A : i32
    %jit3A_31 = arith.constant 1 : i32
    %select_n3A_32 = arith.select %eq3A_30, %jit3A_31, %jit3A_29 : i32
    %rem3A_33 = arith.remsi %add3A_11, %select_n3A_32 : i32
    %ne3A_34 = arith.constant 0 : i32
    %ne3A_35 = arith.cmpi ne, %rem3A_33, %ne3A_34 : i32
    %lt3A = arith.constant 0 : i32
    %lt3A_36 = arith.cmpi slt, %rem3A_33, %lt3A : i32
    %lt3A_37 = arith.constant 0 : i32
    %lt3A_38 = arith.cmpi slt, %select_n3A_32, %lt3A_37 : i32
    %ne3A_39 = arith.xori %lt3A_36, %lt3A_38 : i1
    %and3A_40 = arith.andi %ne3A_39, %ne3A_35 : i1
    %add3A_41 = arith.addi %rem3A_33, %select_n3A_32 : i32
    %select_n3A_42 = arith.select %and3A_40, %add3A_41, %rem3A_33 : i32
    %mul3A_43 = arith.constant 512 : i32
    %mul3A_44 = arith.muli %select_n3A_42, %mul3A_43 : i32
    %dma_wait3A = arith.constant 0 : i32
    %dma_wait3A_45 = arith.constant 0 : i32
    %dma_wait3A_46 = arith.constant 0 : i32
    %dma_wait3A_47 = tpu.memref_slice %arg7[%dma_wait3A, %dma_wait3A_45, %dma_wait3A_46] : memref<2x512x32xf32, #tpu.memory_space<vmem>> -> memref<1x512x32xf32, #tpu.memory_space<vmem>>
    %dma_wait3A_48 = tpu.memref_squeeze %dma_wait3A_47 : memref<1x512x32xf32, #tpu.memory_space<vmem>> -> memref<512x32xf32, #tpu.memory_space<vmem>>
    %dma_wait3A_49 = arith.constant 0 : i32
    %dma_wait3A_50 = tpu.memref_slice %arg4[%select_n3A, %mul3A_44, %dma_wait3A_49] : memref<26x16384x32xf32, #tpu.memory_space<hbm>> -> memref<1x512x32xf32, #tpu.memory_space<hbm>>
    %dma_wait3A_51 = tpu.memref_squeeze %dma_wait3A_50 : memref<1x512x32xf32, #tpu.memory_space<hbm>> -> memref<512x32xf32, #tpu.memory_space<hbm>>
    %dma_wait3A_52 = arith.constant 0 : i32
    %dma_wait3A_53 = tpu.memref_slice %arg4[%select_n3A, %mul3A_44, %dma_wait3A_52] : memref<26x16384x32xf32, #tpu.memory_space<hbm>> -> memref<1x512x32xf32, #tpu.memory_space<hbm>>
    %dma_wait3A_54 = tpu.memref_squeeze %dma_wait3A_53 : memref<1x512x32xf32, #tpu.memory_space<hbm>> -> memref<512x32xf32, #tpu.memory_space<hbm>>
    %dma_wait3A_55 = arith.constant 0 : i32
    %dma_wait3A_56 = arith.constant 0 : i32
    %dma_wait3A_57 = tpu.memref_slice %arg7[%dma_wait3A, %dma_wait3A_55, %dma_wait3A_56] : memref<2x512x32xf32, #tpu.memory_space<vmem>> -> memref<1x512x32xf32, #tpu.memory_space<vmem>>
    %dma_wait3A_58 = tpu.memref_squeeze %dma_wait3A_57 : memref<1x512x32xf32, #tpu.memory_space<vmem>> -> memref<512x32xf32, #tpu.memory_space<vmem>>
    tpu.wait_dma2 semaphore(%arg10 : memref<!tpu.dma_semaphore, #tpu.memory_space<semaphore_mem>>) src(%dma_wait3A_58 : memref<512x32xf32, #tpu.memory_space<vmem>>) dst(%dma_wait3A_54 : memref<512x32xf32, #tpu.memory_space<hbm>>)
    %add3A_59 = arith.constant 26 : i32
    %add3A_60 = arith.addi %mul3A_2, %add3A_59 : i32
    %sub3A_61 = arith.constant 2 : i32
    %sub3A_62 = arith.subi %add3A_60, %sub3A_61 : i32
    %add3A_63 = arith.constant 1 : i32
    %add3A_64 = arith.addi %sub3A_62, %add3A_63 : i32
    %jit3A_65 = arith.constant 32 : i32
    %div3A_66 = arith.divsi %add3A_64, %jit3A_65 : i32
    %sign3A_67 = arith.constant 0 : i32
    %sign3A_68 = arith.cmpi sgt, %add3A_64, %sign3A_67 : i32
    %sign3A_69 = arith.extui %sign3A_68 : i1 to i32
    %sign3A_70 = arith.constant 0 : i32
    %sign3A_71 = arith.cmpi slt, %add3A_64, %sign3A_70 : i32
    %sign3A_72 = arith.extui %sign3A_71 : i1 to i32
    %sign3A_73 = arith.subi %sign3A_69, %sign3A_72 : i32
    %sign3A_74 = arith.constant 0 : i32
    %sign3A_75 = arith.cmpi sgt, %jit3A_65, %sign3A_74 : i32
    %sign3A_76 = arith.extui %sign3A_75 : i1 to i32
    %sign3A_77 = arith.constant 0 : i32
    %sign3A_78 = arith.cmpi slt, %jit3A_65, %sign3A_77 : i32
    %sign3A_79 = arith.extui %sign3A_78 : i1 to i32
    %sign3A_80 = arith.subi %sign3A_76, %sign3A_79 : i32
    %ne3A_81 = arith.cmpi ne, %sign3A_73, %sign3A_80 : i32
    %rem3A_82 = arith.remsi %add3A_64, %jit3A_65 : i32
    %ne3A_83 = arith.constant 0 : i32
    %ne3A_84 = arith.cmpi ne, %rem3A_82, %ne3A_83 : i32
    %and3A_85 = arith.andi %ne3A_81, %ne3A_84 : i1
    %sub3A_86 = arith.constant 1 : i32
    %sub3A_87 = arith.subi %div3A_66, %sub3A_86 : i32
    %select_n3A_88 = arith.select %and3A_85, %sub3A_87, %div3A_66 : i32
    %jit3A_89 = arith.constant 32 : i32
    %eq3A_90 = arith.constant 0 : i32
    %eq3A_91 = arith.cmpi eq, %jit3A_89, %eq3A_90 : i32
    %jit3A_92 = arith.constant 1 : i32
    %select_n3A_93 = arith.select %eq3A_91, %jit3A_92, %jit3A_89 : i32
    %rem3A_94 = arith.remsi %add3A_64, %select_n3A_93 : i32
    %ne3A_95 = arith.constant 0 : i32
    %ne3A_96 = arith.cmpi ne, %rem3A_94, %ne3A_95 : i32
    %lt3A_97 = arith.constant 0 : i32
    %lt3A_98 = arith.cmpi slt, %rem3A_94, %lt3A_97 : i32
    %lt3A_99 = arith.constant 0 : i32
    %lt3A_100 = arith.cmpi slt, %select_n3A_93, %lt3A_99 : i32
    %ne3A_101 = arith.xori %lt3A_98, %lt3A_100 : i1
    %and3A_102 = arith.andi %ne3A_101, %ne3A_96 : i1
    %add3A_103 = arith.addi %rem3A_94, %select_n3A_93 : i32
    %select_n3A_104 = arith.select %and3A_102, %add3A_103, %rem3A_94 : i32
    %mul3A_105 = arith.constant 512 : i32
    %mul3A_106 = arith.muli %select_n3A_104, %mul3A_105 : i32
    %dma_wait3A_107 = arith.constant 1 : i32
    %dma_wait3A_108 = arith.constant 0 : i32
    %dma_wait3A_109 = arith.constant 0 : i32
    %dma_wait3A_110 = tpu.memref_slice %arg7[%dma_wait3A_107, %dma_wait3A_108, %dma_wait3A_109] : memref<2x512x32xf32, #tpu.memory_space<vmem>> -> memref<1x512x32xf32, #tpu.memory_space<vmem>>
    %dma_wait3A_111 = tpu.memref_squeeze %dma_wait3A_110 : memref<1x512x32xf32, #tpu.memory_space<vmem>> -> memref<512x32xf32, #tpu.memory_space<vmem>>
    %dma_wait3A_112 = arith.constant 0 : i32
    %dma_wait3A_113 = tpu.memref_slice %arg4[%select_n3A_88, %mul3A_106, %dma_wait3A_112] : memref<26x16384x32xf32, #tpu.memory_space<hbm>> -> memref<1x512x32xf32, #tpu.memory_space<hbm>>
    %dma_wait3A_114 = tpu.memref_squeeze %dma_wait3A_113 : memref<1x512x32xf32, #tpu.memory_space<hbm>> -> memref<512x32xf32, #tpu.memory_space<hbm>>
    %dma_wait3A_115 = arith.constant 0 : i32
    %dma_wait3A_116 = tpu.memref_slice %arg4[%select_n3A_88, %mul3A_106, %dma_wait3A_115] : memref<26x16384x32xf32, #tpu.memory_space<hbm>> -> memref<1x512x32xf32, #tpu.memory_space<hbm>>
    %dma_wait3A_117 = tpu.memref_squeeze %dma_wait3A_116 : memref<1x512x32xf32, #tpu.memory_space<hbm>> -> memref<512x32xf32, #tpu.memory_space<hbm>>
    %dma_wait3A_118 = arith.constant 0 : i32
    %dma_wait3A_119 = arith.constant 0 : i32
    %dma_wait3A_120 = tpu.memref_slice %arg7[%dma_wait3A_107, %dma_wait3A_118, %dma_wait3A_119] : memref<2x512x32xf32, #tpu.memory_space<vmem>> -> memref<1x512x32xf32, #tpu.memory_space<vmem>>
    %dma_wait3A_121 = tpu.memref_squeeze %dma_wait3A_120 : memref<1x512x32xf32, #tpu.memory_space<vmem>> -> memref<512x32xf32, #tpu.memory_space<vmem>>
    tpu.wait_dma2 semaphore(%arg11 : memref<!tpu.dma_semaphore, #tpu.memory_space<semaphore_mem>>) src(%dma_wait3A_121 : memref<512x32xf32, #tpu.memory_space<vmem>>) dst(%dma_wait3A_117 : memref<512x32xf32, #tpu.memory_space<hbm>>)
    return
  }
}

</mosaic_0001>

<sc_bundles>
// kernel: kernel.3.cloned.1.call-start
scs
__scs_entry_jumppad:
0x0: {  	(pc) =	sbr.rel $0x88, $3  }
0x1: {  	(tag) =	ssettag $0x0;
	lr =	simm.s32 $0x1  }
0x2: {  	[smem:$0x3F9F] =	sst lr;
	_ =	strace $0xD0000000  }
0x3: {  	_ = 	snop  }
0x4: {  	_ = 	snop  }
0x5: {  	_ = 	snop  }
0x6: {  	_ = 	snop  }
0x7: {  	_ = 	snop  }
__scs_overlays_trampoline_lowered:
0x8: {  	[smem:$0x3FAE] =	sst s0  }
0x9: {  	[smem:$0x3FAF] =	sst s1  }
0xa: {  	[smem:$0x3FB0] =	sst s2  }
0xb: {  	[smem:$0x3FB1] =	sst s3  }
0xc: {  	[smem:$0x3FB2] =	sst s4  }
0xd: {  	[smem:$0x3FB3] =	sst s5  }
0xe: {  	[smem:$0x3FB4] =	sst s6  }
0xf: {  	[smem:$0x3FB5] =	sst s7  }
0x10: {  	[smem:$0x3FB6] =	sst s8  }
0x11: {  	[smem:$0x3FB7] =	sst s9;
	s0 =	simm.s32 @!p0 $0x0  }
0x12: {  	s1 =	sld [smem:$0x3F9D];
	s0 =	simm.s32 @p0 $0x1  }
0x13: {  	[smem:$0x3FB8] =	sst s0;
	s0 =	simm.s32 @!p1 $0x0  }
0x14: {  	s2 =	sld [smem:$0x3F9C];
	s0 =	simm.s32 @p1 $0x1  }
0x15: {  	[smem:$0x3FB9] =	sst s0;
	s0 =	simm.s32 @!p2 $0x0  }
0x16: {  	s3 =	sld [smem:$0x3FDB];
	s0 =	simm.s32 @p2 $0x1  }
0x17: {  	s4 =	simm.s32 $0x1BF5;
	[smem:$0x3FBB] =	sst s0  }
0x18: {  	s0 =	sld [smem:$0x3F9E];
	_ =	swait.ge [sflag:s4], $0x0  }
0x19: {  	s7 =	sld [smem:$0x3F9F]  }
0x1a: {  	s8 =	sadd.s32 $0xFFFFE003, lr  }
0x1b: {  	s9 =	sadd.s32 $0xFFFFFEF7, lr;
	s5 =	simm.s32 $0xFFFFFFFF;
	p2 =	slt.u32 s8, $0xFFFFF086  }
0x1c: {  	p1 =	slt.u32 s9, $0xF7A;
	s5 =	simm.s32 @!p2 $0x0  }
0x1d: {  	s5 =	simm.s32 @p1 $0x1;
	p0 =	seq.s32 s7, s2  }
0x1e: {  	s7 =	smul.u32 @!p0 $0xF7A, s2;
	p2 =	seq.s32 @!p0 s5, $0x0  }
0x1f: {  	s9 =	smul.u32 $0xF7A, s1;
	s8 =	simm.s32 @!p0 $0x1BF5;
	p2 =	por !p2, p0  }
0x20: {  	[sflag:s8] =	ssyncset.s32 @!p0 $0xFFFFF086;
	s6 =	sadd.s32 @!p0 s3, s7;
	s7 =	simm.s32 @!p0 $0x108  }
0x21: {  	s3 =	sadd.s32 s3, s9;
	s6 =	sadd.s32 @!p0 $0x88, s6;
	s7 =	simm.s32 @p2 $0x1082  }
0x22: {  	[simem:s7], [sflag:s8] =	dma.local @!p0 [hbm:s6], $0xF7A  }
0x23: {  	s9 =	sor.u32 $0xD0000000, s2;
	s6 =	simm.s32 $0x108;
	_ =	swait.ge @!p0 [sflag:s8], $0x0  }
0x24: {  	s3 =	sadd.s32 $0x88, s3;
	s6 =	simm.s32 @!p1 $0x1082;
	[sflag:s4] =	ssyncset.s32 $0xFFFFF086  }
0x25: {  	[simem:s6], [sflag:s4] =	dma.local [hbm:s3], $0xF7A  }
0x26: {  	[smem:$0x3F9F] =	sst s1;
	(tag) =	ssettag s2;
	_ =	strace s9  }
0x27: {  	s1 =	sld [smem:$0x3FAF]  }
0x28: {  	s2 =	sld [smem:$0x3FB0]  }
0x29: {  	s4 =	sld [smem:$0x3FB2]  }
0x2a: {  	p0 =	seq.s32 s5, $0x0;
	s5 =	sld [smem:$0x3FB3]  }
0x2b: {  	s6 =	sld [smem:$0x3FB4]  }
0x2c: {  	s7 =	sld [smem:$0x3FB5]  }
0x2d: {  	s3 =	simm.s32 $0x108;
	s8 =	sld [smem:$0x3FB6]  }
0x2e: {  	s3 =	simm.s32 @!p0 $0x1082;
	s9 =	sld [smem:$0x3FB7]  }
0x2f: {  	lr =	sadd.s32 s0, s3;
	s0 =	sld [smem:$0x3FAE]  }
0x30: {  	s3 =	sld [smem:$0x3FB1]  }
0x31: {  	[smem:$0x3FBA] =	sst s10  }
0x32: {  	s10 =	sld [smem:$0x3FB8];
	_ =	sdelay $0x3  }
0x33: {  	p0 =	seq.s32 s10, $0x1;
	s10 =	sld [smem:$0x3FBA];
	_ =	sdelay $0x3  }
0x34: {  	[smem:$0x3FBA] =	sst s10  }
0x35: {  	s10 =	sld [smem:$0x3FB9];
	_ =	sdelay $0x3  }
0x36: {  	p1 =	seq.s32 s10, $0x1;
	s10 =	sld [smem:$0x3FBA];
	_ =	sdelay $0x3  }
0x37: {  	[smem:$0x3FBA] =	sst s10  }
0x38: {  	s10 =	sld [smem:$0x3FBB]  }
0x39: {  	_ = 	snop;
	(pc) =	sbr.ind lr, $3  }
0x3a: {  	_ = 	snop  }
0x3b: {  	_ = 	snop  }
0x3c: {  	p2 =	seq.s32 s10, $0x1;
	s10 =	sld [smem:$0x3FBA]  }
0x3d: {  	_ =	shalt  }
0x3e: {  	_ =	shalt  }
0x3f: {  	_ =	shalt  }
0x40: {  	_ =	shalt  }
0x41: {  	_ =	shalt  }
0x42: {  	_ =	shalt  }
0x43: {  	_ =	shalt  }
0x44: {  	_ =	shalt  }
0x45: {  	_ =	shalt  }
0x46: {  	_ =	shalt  }
0x47: {  	_ =	shalt  }
0x48: {  	_ =	shalt  }
0x49: {  	_ =	shalt  }
0x4a: {  	_ =	shalt  }
0x4b: {  	_ =	shalt  }
0x4c: {  	_ =	shalt  }
0x4d: {  	_ =	shalt  }
0x4e: {  	_ =	shalt  }
0x4f: {  	_ =	shalt  }
0x50: {  	_ =	shalt  }
0x51: {  	_ =	shalt  }
0x52: {  	_ =	shalt  }
0x53: {  	_ =	shalt  }
0x54: {  	_ =	shalt  }
0x55: {  	_ =	shalt  }
0x56: {  	_ =	shalt  }
0x57: {  	_ =	shalt  }
0x58: {  	_ =	shalt  }
0x59: {  	_ =	shalt  }
0x5a: {  	_ =	shalt  }
0x5b: {  	_ =	shalt  }
0x5c: {  	_ =	shalt  }
0x5d: {  	_ =	shalt  }
0x5e: {  	_ =	shalt  }
0x5f: {  	_ =	shalt  }
0x60: {  	_ =	shalt  }
0x61: {  	_ =	shalt  }
0x62: {  	_ =	shalt  }
0x63: {  	_ =	shalt  }
0x64: {  	_ =	shalt  }
0x65: {  	_ =	shalt  }
0x66: {  	_ =	shalt  }
0x67: {  	_ =	shalt  }
0x68: {  	_ =	shalt  }
0x69: {  	_ =	shalt  }
0x6a: {  	_ =	shalt  }
0x6b: {  	_ =	shalt  }
0x6c: {  	_ =	shalt  }
0x6d: {  	_ =	shalt  }
0x6e: {  	_ =	shalt  }
0x6f: {  	_ =	shalt  }
0x70: {  	_ =	shalt  }
0x71: {  	_ =	shalt  }
0x72: {  	_ =	shalt  }
0x73: {  	_ =	shalt  }
0x74: {  	_ =	shalt  }
0x75: {  	_ =	shalt  }
0x76: {  	_ =	shalt  }
0x77: {  	_ =	shalt  }
0x78: {  	_ =	shalt  }
0x79: {  	_ =	shalt  }
0x7a: {  	_ =	shalt  }
0x7b: {  	_ =	shalt  }
0x7c: {  	_ =	shalt  }
0x7d: {  	_ =	shalt  }
0x7e: {  	_ =	shalt  }
0x7f: {  	_ =	shalt  }
0x80: {  	_ =	shalt  }
0x81: {  	_ =	shalt  }
0x82: {  	_ =	shalt  }
0x83: {  	_ =	shalt  }
0x84: {  	_ =	shalt  }
0x85: {  	_ =	shalt  }
0x86: {  	_ =	shalt  }
0x87: {  	_ =	shalt  }
.Lfunc_end0:
.L_simem_size_0:
called_computation.1_lowered:
.L_overlay_start_0:
0x88: {  	s2 =	sld [smem:$0x3FD9]  }
0x89: {  	s3 =	sld [smem:$0x3FFE];
	_ =	sdelay $0x1  }
0x8a: {  	s1 =	srdreg.scid  }
0x8b: {  	s0 =	sand.u32 $0x1, s1  }
0x8c: {  	s17 =	sshll.u32 s0, $0xA;
	s2 =	sadd.s32 s3, s2  }
0x8d: {  	s2 =	sadd.s32 s2, s17  }
0x8e: {  	[smem:$0x3FC6] =	sst s2  }
0x8f: {  	_ = 	snop  }
0x90: {  	s2 =	sld [smem:$0x3FD0];
	(tm) =	ssettm $0x1  }
0x91: {  	s18 =	sld [smem:$0x3FFB];
	_ =	sdelay $0x3  }
0x92: {  	_ =	strace s18  }
0x93: {  	s3 =	sld [smem:$0x3FFC];
	_ =	sdelay $0x3  }
0x94: {  	_ =	strace s3  }
0x95: {  	s3 =	sld [smem:$0x3FFD];
	_ =	sdelay $0x3  }
0x96: {  	_ =	strace s3  }
0x97: {  	_ =	strace $0x8FFFFFFF  }
0x98: {  	s19 =	sld [smem:$0x3FDB];
	_ =	sdelay $0x1  }
0x99: {  	s4 =	simm.s32 $_scs_section_size  }
0x9a: {  	s5 =	simm.s32 $_size__tile_overlayer_lowered;
	s6 =	simm.s32 $_tile_overlayer_lowered  }
0x9b: {  	s22 =	simm.s32 $0x1BFF;
	s21 =	sshll.u32 s6, $0x1;
	s3 =	sadd.s32 s4, s19  }
0x9c: {  	s7 =	simm.s32 $0x0;
	s20 =	sshll.u32 s5, $0x1;
	s5 =	sadd.s32 s21, s3  }
0x9d: {  	[timem:s7], [sflag:s22] =	dma.local [hbm:s5], s20  }
0x9e: {  	_ =	swait.ge [sflag:s22], s20  }
0x9f: {  	s4 =	ssub.s32 $0x0, s20;
	[sflag:s22] =	ssyncset.done $0x0  }
0xa0: {  	[sflag:s22] =	ssyncadd.s32 s4;
	_ =	sdelay $0x1  }
0xa1: {  	s23 =	simm.s32 $0x1B8B  }
0xa2: {  	_ =	swait.ge [sflag:s23], $0x1  }
0xa3: {  	[sflag:s23] =	ssyncset.done $0x0  }
0xa4: {  	s25 =	simm.s32 $0x1B8E;
	s24 =	sld [smem:$0x3FFE];
	[sflag:s23] =	ssyncadd.s32 $0xFFFFFFFF  }
0xa5: {  	s26 =	simm.s32 $execute0_lowered;
	[smem:$0x3FD2] =	sst s25  }
0xa6: {  	s5 =	sshll.u32 s26, $0x1;
	_ =	strace $0x80000046;
	[dreg:$0x1] =	wrdreg $0xFFFFFFFF  }
0xa7: {  	s28 =	simm.s32 $_size_execute0_lowered;
	s3 =	sadd.s32 s3, s5;
	[dreg:$0x0] =	wrdreg $0x0  }
0xa8: {  	s5 =	sshll.u32 s28, $0x1;
	[dreg:$0x2] =	wrdreg s3  }
0xa9: {  	[dreg:$0x3] =	wrdreg s5  }
0xaa: {  	[dreg:$0x4] =	wrdreg $0xC0  }
0xab: {  	_ =	task [dreg:s7], $0x5FFFF  }
0xac: {  	[dreg:$0x1] =	wrdreg $0xFFFFFFFF  }
0xad: {  	[dreg:$0x0] =	wrdreg $0x60  }
0xae: {  	[dreg:$0x2] =	wrdreg s24  }
0xaf: {  	[dreg:$0x3] =	wrdreg s2  }
0xb0: {  	[dreg:$0x4] =	wrdreg $0x9  }
0xb1: {  	_ =	task.clear_ibuf [dreg:s7], $0x5FFFF;
	_ =	strace $0x90000046  }
0xb2: {  	s29 =	simm.s32 $0x9;
	_ =	strace $0x80000048  }
0xb3: {  	_ =	swait.ge [sflag:s29], $0x1  }
0xb4: {  	[sflag:s29] =	ssyncadd.s32 $0xFFFFFFFF  }
0xb5: {  	_ =	strace $0x90000048  }
0xb6: {  	_ =	sfence  }
0xb7: {  	s30 =	sld [smem:$0x0];
	_ =	sdelay $0x2  }
0xb8: {  	s31 =	sshll.u32 s1, $0xD;
	s1 =	sshrl.u32 s1, $0x2  }
0xb9: {  	s3 =	sand.u32 $0x4000, s31;
	s1 =	sadd.s32 s1, s30  }
0xba: {  	s0 =	sor.u32 s3, s0;
	s1 =	sshll.u32 s1, $0x11  }
0xbb: {  	s0 =	sor.u32 s1, s0  }
0xbc: {  	s0 =	sadd.s32 $0x8F2B, s0  }
0xbd: {  	[sflag:s0] =	ssyncadd.remote.s32 $0x1  }
0xbe: {  	_ =	sfence.sel $0xFFFF  }
0xbf: {  	[dreg:$0x0] =	wrdreg $0xFFFFFFFF;
	(pc) =	sbr.abs _section_cstart, $3  }
0xc0: {  	[dreg:$0x1] =	wrdreg $0xFFFFFFFF  }
0xc1: {  	_ =	task.clear_ibuf [dreg:s7], $0x2FFFF;
	_ =	strace $0x9FFFFFFF  }
0xc2: {  	(tm) =	ssettm $0x7FFFFFFF  }
0xc3: {  	_ =	shalt  }
tec
execute0_lowered:
.L_overlay_start_1:
0x0: {  	(tag) =	ssettag $0x1  }
0x1: {  	s4 =	rddreg [dreg:$0x0]  }
0x2: {  	s1 =	rddreg [dreg:$0x1]  }
0x3: {  	s2 =	srdreg.scid;
	s0 =	stileid.u32;
	s19 =	simm.s32 $0x400  }
0x4: {  	s21 =	simm.s32 $0x480;
	s22 =	simm.s32 $0x1800;
	[dreg:$0x3] =	wrdreg s1  }
0x5: {  	s5 =	sand.u32 $0x1, s2;
	s1 =	rddreg [dreg:$0x2];
	s2 =	simm.s32 $0x0  }
0x6: {  	s23 =	simm.s32 $0x500;
	s25 =	simm.s32 $0x2800;
	[smem:$0x7FF] =	sst s2  }
0x7: {  	s26 =	simm.s32 $0x580;
	_ =	strace $0x80000047;
	[dreg:$0x5] =	wrdreg s19  }
0x8: {  	s28 =	simm.s32 $0x3800;
	s29 =	simm.s32 $0x200;
	[dreg:$0x6] =	wrdreg s21  }
0x9: {  	s30 =	simm.s32 $0x600;
	s10 =	simm.s32 $0x680;
	[dreg:$0x7] =	wrdreg s22  }
0xa: {  	s11 =	simm.s32 $0x5800;
	s31 =	simm.s32 $0x700;
	[dreg:$0x8] =	wrdreg s23  }
0xb: {  	s12 =	simm.s32 $0x780;
	s13 =	simm.s32 $0x7800;
	[dreg:$0x9] =	wrdreg s25  }
0xc: {  	s14 =	simm.s32 $0x1;
	s15 =	simm.s32 $0x2;
	[dreg:$0xa] =	wrdreg s26  }
0xd: {  	s16 =	simm.s32 $0x3;
	s17 =	simm.s32 $0x4;
	[dreg:$0xb] =	wrdreg s28  }
0xe: {  	s18 =	simm.s32 $0x0;
	s6 =	smul.u32 $0x34, s0;
	[dreg:$0xc] =	wrdreg s29  }
0xf: {  	s3 =	sadd.s32 $0xF42E00, s4;
	s24 =	smul.u32 $0x6800, s0;
	[dreg:$0xd] =	wrdreg s30  }
0x10: {  	s4 =	sadd.s32 $0xA00, s4;
	s7 =	smul.u32 $0x1A, s5;
	[dreg:$0xe] =	wrdreg s10  }
0x11: {  	s20 =	ssub.s32 $0x2, s5;
	s9 =	smul.u32 $0x3400, s5;
	[dreg:$0xf] =	wrdreg s11  }
0x12: {  	s8 =	sshrl.u32 s20, $0x1;
	s10 =	simm.s32 $0x4800;
	[dreg:$0x10] =	wrdreg s31  }
0x13: {  	s11 =	simm.s32 $0x6800;
	s6 =	sadd.s32 s7, s6;
	s7 =	ssub.s32 s20, s8  }
0x14: {  	s8 =	simm.s32 $0x80;
	[dreg:$0x4] =	wrdreg s6;
	s5 =	smax.u32 s7, $0x1  }
0x15: {  	s6 =	sadd.s32 s9, s24;
	s7 =	simm.s32 $0x5;
	s9 =	simm.s32 $0x800  }
.LBB2_1:
0x16: {  	s19 =	smov.u32 s6;
	s20 =	simm.s32 $0x0  }
.LBB2_2:
0x17: {  	s21 =	rddreg [dreg:$0x4]  }
0x18: {  	s21 =	sadd.s32 s20, s21  }
0x19: {  	p0 =	seq.s32 s20, $0x0;
	s21 =	sshrl.u32 s21, $0x5  }
0x1a: {  	s22 =	sand.u32 $0x3C00, s19;
	s23 =	simm.s32 @!p0 $0x3;
	s24 =	sshll.u32 s21, $0xE  }
0x1b: {  	_ =	swait.ge @!p0 [sflag:s23], $0x4000;
	s25 =	sor.u32 s22, s24  }
0x1c: {  	[sflag:s23] =	ssyncset.done @!p0 $0x0;
	s25 =	sshrl.u32 s25, $0x3  }
0x1d: {  	[sflag:s23] =	ssyncadd.s32 @!p0 $0xFFFFC000;
	s29 =	sadd.s32 s4, s25  }
0x1e: {  	[tilespmem:s2], [sflag:$0x5] =	stream.linear.gather [hbm4b:s29+s2], $0x200, $0x38;
	[tilespmem:$0x8800] =	vst v63  }
0x1f: {  	_ =	swait.ge [sflag:s7], $0x200  }
0x20: {  	[sflag:s7] =	ssyncset.done $0x0  }
0x21: {  	[sflag:s7] =	ssyncadd.s32 $0xFFFFFE00  }
0x22: {  	v0 =	vld [tilespmem:$0x0]  }
0x23: {  	v1 =	vld [tilespmem:$0x10]  }
0x24: {  	v2 =	vld [tilespmem:$0x20]  }
0x25: {  	v3 =	vld [tilespmem:$0x30]  }
0x26: {  	v4 =	vld [tilespmem:$0x40]  }
0x27: {  	v61 =	vld [tilespmem:$0x50];
	[tilespmem:$0x400] =	vst v0  }
0x28: {  	v62 =	vld [tilespmem:$0x60];
	[tilespmem:$0x410] =	vst v1  }
0x29: {  	v63 =	vld [tilespmem:$0x70];
	[tilespmem:$0x420] =	vst v2  }
0x2a: {  	v8 =	vld [tilespmem:$0x80];
	[tilespmem:$0x430] =	vst v3  }
0x2b: {  	v9 =	vld [tilespmem:$0x90];
	[tilespmem:$0x440] =	vst v4  }
0x2c: {  	v10 =	vld [tilespmem:$0xA0];
	[tilespmem:$0x450] =	vst v61  }
0x2d: {  	v11 =	vld [tilespmem:$0xB0];
	[tilespmem:$0x460] =	vst v62  }
0x2e: {  	v12 =	vld [tilespmem:$0xC0];
	[tilespmem:$0x470] =	vst v63  }
0x2f: {  	v13 =	vld [tilespmem:$0xD0];
	[tilespmem:$0x480] =	vst v8  }
0x30: {  	v14 =	vld [tilespmem:$0xE0];
	[tilespmem:$0x490] =	vst v9  }
0x31: {  	v15 =	vld [tilespmem:$0xF0];
	[tilespmem:$0x4A0] =	vst v10  }
0x32: {  	v16 =	vld [tilespmem:$0x100];
	[tilespmem:$0x4B0] =	vst v11  }
0x33: {  	v17 =	vld [tilespmem:$0x110];
	[tilespmem:$0x4C0] =	vst v12  }
0x34: {  	v18 =	vld [tilespmem:$0x120];
	[tilespmem:$0x4D0] =	vst v13  }
0x35: {  	v19 =	vld [tilespmem:$0x130];
	[tilespmem:$0x4E0] =	vst v14  }
0x36: {  	v20 =	vld [tilespmem:$0x140];
	[tilespmem:$0x4F0] =	vst v15  }
0x37: {  	v21 =	vld [tilespmem:$0x150];
	[tilespmem:$0x500] =	vst v16  }
0x38: {  	v22 =	vld [tilespmem:$0x160];
	[tilespmem:$0x510] =	vst v17  }
0x39: {  	v23 =	vld [tilespmem:$0x170];
	[tilespmem:$0x520] =	vst v18  }
0x3a: {  	v24 =	vld [tilespmem:$0x180];
	[tilespmem:$0x530] =	vst v19  }
0x3b: {  	v25 =	vld [tilespmem:$0x190];
	[tilespmem:$0x540] =	vst v20  }
0x3c: {  	v26 =	vld [tilespmem:$0x1A0];
	[tilespmem:$0x550] =	vst v21  }
0x3d: {  	v27 =	vld [tilespmem:$0x1B0];
	[tilespmem:$0x560] =	vst v22  }
0x3e: {  	v28 =	vld [tilespmem:$0x1C0];
	[tilespmem:$0x570] =	vst v23  }
0x3f: {  	v29 =	vld [tilespmem:$0x1D0];
	[tilespmem:$0x580] =	vst v24  }
0x40: {  	v30 =	vld [tilespmem:$0x1E0];
	[tilespmem:$0x590] =	vst v25  }
0x41: {  	v31 =	vld [tilespmem:$0x1F0];
	[tilespmem:$0x5A0] =	vst v26  }
0x42: {  	[tilespmem:$0x5B0] =	vst v27  }
0x43: {  	s30 =	rddreg [dreg:$0x5];
	[tilespmem:$0x5C0] =	vst v28  }
0x44: {  	s31 =	rddreg [dreg:$0x6];
	[tilespmem:$0x5D0] =	vst v29  }
0x45: {  	s26 =	rddreg [dreg:$0x7];
	[tilespmem:$0x5E0] =	vst v30  }
0x46: {  	s29 =	rddreg [dreg:$0x9];
	[tilespmem:$0x5F0] =	vst v31  }
0x47: {  	[tilespmem:s9], [sflag:$0x1] =	stream.indirect.gather [hbm4b:s3+s8], $0x20, s30, s8, $0xb8;
	[tilespmem:$0x8800] =	vst v63  }
0x48: {  	s28 =	rddreg [dreg:$0xb]  }
0x49: {  	[tilespmem:s26], [sflag:$0x1] =	stream.indirect.gather [hbm4b:s3+s8], $0x20, s31, s8, $0xb8;
	[tilespmem:$0x8800] =	vst v63  }
0x4a: {  	s26 =	rddreg [dreg:$0x8]  }
0x4b: {  	[tilespmem:s29], [sflag:$0x1] =	stream.indirect.gather [hbm4b:s3+s8], $0x20, s26, s8, $0xb8;
	[tilespmem:$0x8800] =	vst v63  }
0x4c: {  	s23 =	sor.u32 $0x200, s22;
	s25 =	simm.s32 @!p0 $0x4;
	s30 =	rddreg [dreg:$0xa]  }
0x4d: {  	[tilespmem:s28], [sflag:$0x1] =	stream.indirect.gather [hbm4b:s3+s8], $0x20, s30, s8, $0xb8;
	[tilespmem:$0x8800] =	vst v63  }
0x4e: {  	s24 =	sor.u32 s24, s23;
	_ =	swait.ge @!p0 [sflag:s25], $0x4000  }
0x4f: {  	s24 =	sshrl.u32 s24, $0x3;
	[sflag:s25] =	ssyncset.done @!p0 $0x0  }
0x50: {  	s24 =	sadd.s32 s4, s24;
	s31 =	rddreg [dreg:$0xc];
	[sflag:s25] =	ssyncadd.s32 @!p0 $0xFFFFC000  }
0x51: {  	[tilespmem:s31], [sflag:$0x5] =	stream.linear.gather [hbm4b:s24+s2], $0x200, $0x38;
	[tilespmem:$0x8800] =	vst v63  }
0x52: {  	_ =	swait.ge [sflag:s7], $0x200  }
0x53: {  	[sflag:s7] =	ssyncset.done $0x0  }
0x54: {  	[sflag:s7] =	ssyncadd.s32 $0xFFFFFE00  }
0x55: {  	v32 =	vld [tilespmem:$0x200]  }
0x56: {  	v33 =	vld [tilespmem:$0x210]  }
0x57: {  	v34 =	vld [tilespmem:$0x220]  }
0x58: {  	v35 =	vld [tilespmem:$0x230]  }
0x59: {  	v36 =	vld [tilespmem:$0x240]  }
0x5a: {  	v37 =	vld [tilespmem:$0x250];
	[tilespmem:$0x600] =	vst v32  }
0x5b: {  	v38 =	vld [tilespmem:$0x260];
	[tilespmem:$0x610] =	vst v33  }
0x5c: {  	v39 =	vld [tilespmem:$0x270];
	[tilespmem:$0x620] =	vst v34  }
0x5d: {  	v40 =	vld [tilespmem:$0x280];
	[tilespmem:$0x630] =	vst v35  }
0x5e: {  	v41 =	vld [tilespmem:$0x290];
	[tilespmem:$0x640] =	vst v36  }
0x5f: {  	v42 =	vld [tilespmem:$0x2A0];
	[tilespmem:$0x650] =	vst v37  }
0x60: {  	v43 =	vld [tilespmem:$0x2B0];
	[tilespmem:$0x660] =	vst v38  }
0x61: {  	v44 =	vld [tilespmem:$0x2C0];
	[tilespmem:$0x670] =	vst v39  }
0x62: {  	v45 =	vld [tilespmem:$0x2D0];
	[tilespmem:$0x680] =	vst v40  }
0x63: {  	v46 =	vld [tilespmem:$0x2E0];
	[tilespmem:$0x690] =	vst v41  }
0x64: {  	v47 =	vld [tilespmem:$0x2F0];
	[tilespmem:$0x6A0] =	vst v42  }
0x65: {  	v48 =	vld [tilespmem:$0x300];
	[tilespmem:$0x6B0] =	vst v43  }
0x66: {  	v49 =	vld [tilespmem:$0x310];
	[tilespmem:$0x6C0] =	vst v44  }
0x67: {  	v50 =	vld [tilespmem:$0x320];
	[tilespmem:$0x6D0] =	vst v45  }
0x68: {  	v51 =	vld [tilespmem:$0x330];
	[tilespmem:$0x6E0] =	vst v46  }
0x69: {  	v52 =	vld [tilespmem:$0x340];
	[tilespmem:$0x6F0] =	vst v47  }
0x6a: {  	v53 =	vld [tilespmem:$0x350];
	[tilespmem:$0x700] =	vst v48  }
0x6b: {  	v54 =	vld [tilespmem:$0x360];
	[tilespmem:$0x710] =	vst v49  }
0x6c: {  	v55 =	vld [tilespmem:$0x370];
	[tilespmem:$0x720] =	vst v50  }
0x6d: {  	v56 =	vld [tilespmem:$0x380];
	[tilespmem:$0x730] =	vst v51  }
0x6e: {  	v57 =	vld [tilespmem:$0x390];
	[tilespmem:$0x740] =	vst v52  }
0x6f: {  	v58 =	vld [tilespmem:$0x3A0];
	[tilespmem:$0x750] =	vst v53  }
0x70: {  	v59 =	vld [tilespmem:$0x3B0];
	[tilespmem:$0x760] =	vst v54  }
0x71: {  	v60 =	vld [tilespmem:$0x3C0];
	[tilespmem:$0x770] =	vst v55  }
0x72: {  	v61 =	vld [tilespmem:$0x3D0];
	[tilespmem:$0x780] =	vst v56  }
0x73: {  	v62 =	vld [tilespmem:$0x3E0];
	[tilespmem:$0x790] =	vst v57  }
0x74: {  	v63 =	vld [tilespmem:$0x3F0];
	[tilespmem:$0x7A0] =	vst v58  }
0x75: {  	[tilespmem:$0x7B0] =	vst v59  }
0x76: {  	[tilespmem:$0x7C0] =	vst v60  }
0x77: {  	[tilespmem:$0x7D0] =	vst v61  }
0x78: {  	s25 =	rddreg [dreg:$0xd];
	[tilespmem:$0x7E0] =	vst v62  }
0x79: {  	s26 =	rddreg [dreg:$0xe];
	[tilespmem:$0x7F0] =	vst v63  }
0x7a: {  	[tilespmem:s10], [sflag:$0x2] =	stream.indirect.gather [hbm4b:s3+s8], $0x20, s25, s8, $0xb8;
	[tilespmem:$0x8800] =	vst v63  }
0x7b: {  	s28 =	rddreg [dreg:$0xf]  }
0x7c: {  	[tilespmem:s28], [sflag:$0x2] =	stream.indirect.gather [hbm4b:s3+s8], $0x20, s26, s8, $0xb8;
	[tilespmem:$0x8800] =	vst v63  }
0x7d: {  	s29 =	rddreg [dreg:$0x10]  }
0x7e: {  	[tilespmem:s11], [sflag:$0x2] =	stream.indirect.gather [hbm4b:s3+s8], $0x20, s29, s8, $0xb8;
	[tilespmem:$0x8800] =	vst v63  }
0x7f: {  	_ = 	snop  }
0x80: {  	[tilespmem:s13], [sflag:$0x2] =	stream.indirect.gather [hbm4b:s3+s8], $0x20, s12, s8, $0xb8;
	[tilespmem:$0x8800] =	vst v63  }
0x81: {  	_ =	swait.ge [sflag:s14], $0x1000  }
0x82: {  	[sflag:s14] =	ssyncset.done $0x0  }
0x83: {  	[sflag:s14] =	ssyncadd.s32 $0xFFFFF000  }
0x84: {  	_ =	swait.ge [sflag:s14], $0x1000  }
0x85: {  	[sflag:s14] =	ssyncset.done $0x0  }
0x86: {  	[sflag:s14] =	ssyncadd.s32 $0xFFFFF000  }
0x87: {  	_ =	swait.ge [sflag:s14], $0x1000  }
0x88: {  	[sflag:s14] =	ssyncset.done $0x0  }
0x89: {  	[sflag:s14] =	ssyncadd.s32 $0xFFFFF000  }
0x8a: {  	_ =	swait.ge [sflag:s14], $0x1000  }
0x8b: {  	s21 =	sshll.u32 s21, $0x10;
	s30 =	rddreg [dreg:$0x3]  }
0x8c: {  	s22 =	sshll.u32 s22, $0x2;
	[sflag:s14] =	ssyncset.done $0x0;
	s21 =	sadd.s32 s30, s21  }
0x8d: {  	[sflag:s14] =	ssyncadd.s32 $0xFFFFF000;
	s22 =	sadd.s32 s22, s21  }
0x8e: {  	[hbm4b:s22+s2] =	stream.linear.scatter [tilespmem:s9], [sflag:$0x3], $0x4000, $0x38;
	[tilespmem:$0x8800] =	vst v63  }
0x8f: {  	_ =	swait.ge [sflag:s15], $0x1000  }
0x90: {  	[sflag:s15] =	ssyncset.done $0x0  }
0x91: {  	[sflag:s15] =	ssyncadd.s32 $0xFFFFF000  }
0x92: {  	_ =	swait.ge [sflag:s15], $0x1000  }
0x93: {  	[sflag:s15] =	ssyncset.done $0x0  }
0x94: {  	[sflag:s15] =	ssyncadd.s32 $0xFFFFF000  }
0x95: {  	s20 =	sadd.s32 $0x2, s20;
	_ =	swait.ge [sflag:s15], $0x1000  }
0x96: {  	p0 =	sne.s32 s20, $0x1A;
	[sflag:s15] =	ssyncset.done $0x0  }
.Ltmp0:
0x97: {  	[sflag:s15] =	ssyncadd.s32 $0xFFFFF000;
	(pc) =	sbr.rel @p0 .LBB2_2-.Ltmp0, $4  }
0x98: {  	_ =	swait.ge [sflag:s15], $0x1000  }
0x99: {  	s31 =	sshll.u32 s23, $0x2;
	[sflag:s15] =	ssyncset.done $0x0  }
0x9a: {  	s19 =	sadd.s32 $0x400, s19;
	s21 =	sadd.s32 s31, s21;
	[sflag:s15] =	ssyncadd.s32 $0xFFFFF000  }
0x9b: {  	[hbm4b:s21+s2] =	stream.linear.scatter [tilespmem:s10], [sflag:$0x4], $0x4000, $0x38;
	[tilespmem:$0x8800] =	vst v63  }
0x9c: {  	s18 =	sadd.s32 $0x1, s18  }
0x9d: {  	_ =	swait.ge [sflag:s16], $0x4000;
	p0 =	sne.s32 s18, s5  }
.Ltmp1:
0x9e: {  	[sflag:s16] =	ssyncset.done $0x0;
	(pc) =	sbr.rel @p0 .LBB2_1-.Ltmp1, $4  }
0x9f: {  	[sflag:s16] =	ssyncadd.s32 $0xFFFFC000  }
0xa0: {  	_ =	swait.ge [sflag:s17], $0x4000  }
0xa1: {  	[sflag:s17] =	ssyncset.done $0x0  }
0xa2: {  	[sflag:s17] =	ssyncadd.s32 $0xFFFFC000  }
0xa3: {  	_ =	sfence.sel $0x180000  }
0xa4: {  	[bflag:$0x0] =	sbarrier.arrive $0xFFFF  }
0xa5: {  	p0 =	sne.s32 s0, $0x0;
	_ =	strace $0x90000047  }
0xa6: {  	s0 =	sadd.s32 @!p0 $0x100000, s1;
	[bflag:$0x2] =	sbarrier.arrive $0xFFFF  }
0xa7: {  	[sflag:s0] =	ssyncadd.tile.s32 @!p0 $0x1;
	_ =	shalt  }
.Lfunc_end2:
_tile_overlayer_lowered:
.L_overlay_start_2:
0xa8: {  	(tag) =	ssettag $0x2  }
0xa9: {  	s0 =	rddreg [dreg:$0x0];
	s2 =	stileid.u32  }
0xaa: {  	s1 =	rddreg [dreg:$0x1];
	p0 =	sne.s32 s2, $0x0  }
0xab: {  	s3 =	rddreg [dreg:$0x2];
	[bflag:$0x3] =	sbarrier.arrive $0xFFFF;
	s2 =	simm.s32 @!p0 $0x1C05  }
0xac: {  	[timem:s3], [sflag:s2] =	dma.local @!p0 [hbm:s0], s1  }
0xad: {  	s0 =	simm.s32 @!p0 $0x5  }
0xae: {  	_ =	swait.ge @!p0 [sflag:s0], s1  }
0xaf: {  	s1 =	ssub.s32 @!p0 $0x0, s1;
	[sflag:s0] =	ssyncset.done @!p0 $0x0  }
0xb0: {  	[sflag:s0] =	ssyncadd.s32 @!p0 s1  }
0xb1: {  	[bflag:$0x3] =	sbarrier.arrive $0xFFFF  }
0xb2: {  	_ =	shalt  }

// kernel: sparse-core-data-format-call.cloned.1.call-start
scs
called_computation_lowered:
.L_overlay_start_0:
0x0: {  	s2 =	sld [smem:$0x3FD9]  }
0x1: {  	s3 =	sld [smem:$0x3FFE];
	_ =	sdelay $0x1  }
0x2: {  	s1 =	srdreg.scid  }
0x3: {  	s0 =	sand.u32 $0x1, s1  }
0x4: {  	s18 =	sshll.u32 s0, $0xA;
	s2 =	sadd.s32 s3, s2  }
0x5: {  	s2 =	sadd.s32 s2, s18  }
0x6: {  	[smem:$0x3FC6] =	sst s2  }
0x7: {  	_ = 	snop  }
0x8: {  	s2 =	sld [smem:$0x3FD0];
	(tm) =	ssettm $0x1  }
0x9: {  	s19 =	sld [smem:$0x3FFB];
	_ =	sdelay $0x3  }
0xa: {  	_ =	strace s19  }
0xb: {  	s3 =	sld [smem:$0x3FFC];
	_ =	sdelay $0x3  }
0xc: {  	_ =	strace s3  }
0xd: {  	s3 =	sld [smem:$0x3FFD];
	_ =	sdelay $0x3  }
0xe: {  	_ =	strace s3  }
0xf: {  	_ =	strace $0x8FFFFFFF  }
0x10: {  	s20 =	sld [smem:$0x3FDB];
	_ =	sdelay $0x1  }
0x11: {  	s4 =	simm.s32 $_scs_section_size  }
0x12: {  	s5 =	simm.s32 $_size__tile_overlayer_lowered;
	s6 =	simm.s32 $_tile_overlayer_lowered  }
0x13: {  	s23 =	simm.s32 $0x1BFF;
	s22 =	sshll.u32 s6, $0x1;
	s3 =	sadd.s32 s4, s20  }
0x14: {  	s7 =	simm.s32 $0x0;
	s21 =	sshll.u32 s5, $0x1;
	s5 =	sadd.s32 s22, s3  }
0x15: {  	[timem:s7], [sflag:s23] =	dma.local [hbm:s5], s21  }
0x16: {  	_ =	swait.ge [sflag:s23], s21  }
0x17: {  	s4 =	ssub.s32 $0x0, s21;
	[sflag:s23] =	ssyncset.done $0x0  }
0x18: {  	[sflag:s23] =	ssyncadd.s32 s4;
	_ =	sdelay $0x1  }
0x19: {  	s24 =	simm.s32 $0x1B8B  }
0x1a: {  	_ =	swait.ge [sflag:s24], $0x1  }
0x1b: {  	[sflag:s24] =	ssyncset.done $0x0  }
0x1c: {  	s26 =	simm.s32 $0x1B8E;
	s25 =	sld [smem:$0x3FFE];
	[sflag:s24] =	ssyncadd.s32 $0xFFFFFFFF  }
0x1d: {  	s27 =	simm.s32 $execute0_lowered;
	[smem:$0x3FD2] =	sst s26  }
0x1e: {  	s5 =	sshll.u32 s27, $0x1;
	_ =	strace $0x80000049;
	[dreg:$0x1] =	wrdreg $0xFFFFFFFF  }
0x1f: {  	s28 =	simm.s32 $_size_execute0_lowered;
	s3 =	sadd.s32 s3, s5;
	[dreg:$0x0] =	wrdreg $0x0  }
0x20: {  	s5 =	sshll.u32 s28, $0x1;
	[dreg:$0x2] =	wrdreg s3  }
0x21: {  	[dreg:$0x3] =	wrdreg s5  }
0x22: {  	[dreg:$0x4] =	wrdreg $0xC0  }
0x23: {  	_ =	task [dreg:s7], $0x5FFFF  }
0x24: {  	[dreg:$0x1] =	wrdreg $0xFFFFFFFF  }
0x25: {  	[dreg:$0x0] =	wrdreg $0x60  }
0x26: {  	[dreg:$0x2] =	wrdreg s25  }
0x27: {  	[dreg:$0x3] =	wrdreg s2  }
0x28: {  	[dreg:$0x4] =	wrdreg $0x9  }
0x29: {  	_ =	task.clear_ibuf [dreg:s7], $0x5FFFF;
	_ =	strace $0x90000049  }
0x2a: {  	s29 =	simm.s32 $0x9;
	_ =	strace $0x8000004B  }
0x2b: {  	_ =	swait.ge [sflag:s29], $0x1  }
0x2c: {  	[sflag:s29] =	ssyncadd.s32 $0xFFFFFFFF  }
0x2d: {  	_ =	strace $0x9000004B  }
0x2e: {  	_ =	sfence  }
0x2f: {  	s30 =	sld [smem:$0x0];
	_ =	sdelay $0x2  }
0x30: {  	s31 =	sshll.u32 s1, $0xD;
	s1 =	sshrl.u32 s1, $0x2  }
0x31: {  	s3 =	sand.u32 $0x4000, s31;
	s1 =	sadd.s32 s1, s30  }
0x32: {  	s0 =	sor.u32 s3, s0;
	s1 =	sshll.u32 s1, $0x11  }
0x33: {  	s0 =	sor.u32 s1, s0  }
0x34: {  	s0 =	sadd.s32 $0x8F2B, s0  }
0x35: {  	[sflag:s0] =	ssyncadd.remote.s32 $0x1  }
0x36: {  	_ =	sfence.sel $0xFFFF  }
0x37: {  	[dreg:$0x0] =	wrdreg $0xFFFFFFFF;
	(pc) =	sbr.abs _section_cstart, $3  }
0x38: {  	[dreg:$0x1] =	wrdreg $0xFFFFFFFF  }
0x39: {  	_ =	task.clear_ibuf [dreg:s7], $0x2FFFF;
	_ =	strace $0x9FFFFFFF  }
0x3a: {  	(tm) =	ssettm $0x7FFFFFFF  }
0x3b: {  	_ =	shalt  }
tec
execute0_lowered:
.L_overlay_start_1:
0x0: {  	(tag) =	ssettag $0x1  }
0x1: {  	s0 =	srdreg.scid  }
0x2: {  	s1 =	sshll.u32 s0, $0x4  }
0x3: {  	s0 =	stileid.u32;
	s1 =	sand.u32 $0x10, s1  }
0x4: {  	s7 =	rddreg [dreg:$0x0];
	s1 =	sor.u32 s0, s1  }
0x5: {  	s4 =	simm.s32 $0x1;
	s8 =	simm.s32 $0x2;
	s2 =	sshll.u32 s1, $0x7  }
0x6: {  	s13 =	simm.s32 $0x0;
	s9 =	simm.s32 $0x20000;
	s1 =	ssub.s32 $0x4000, s2  }
0x7: {  	s14 =	simm.s32 $0x0;
	s11 =	simm.s32 $0x0;
	s3 =	sand.u32 $0xF80, s1  }
0x8: {  	s12 =	simm.s32 $0x0;
	s5 =	sshrl.u32 s1, $0xC;
	p0 =	sne.s32 s3, $0x0  }
.Ltmp0:
0x9: {  	s1 =	rddreg [dreg:$0x2];
	s4 =	simm.s32 @!p0 $0x0;
	(pc) =	sbr.rel .LBB1_1-.Ltmp0, $4  }
0xa: {  	s6 =	sadd.s32 $0xA00, s7;
	s3 =	rddreg [dreg:$0x1];
	s5 =	sadd.s32 s4, s5  }
0xb: {  	_ =	strace $0x8000004A;
	s4 =	simm.s32 $0x1;
	s5 =	smul.u32 $0xD, s5  }
0xc: {  	s7 =	sadd.s32 $0x40A00, s7;
	s10 =	smov.u32 s2;
	[sflag:s4] =	ssyncpa.u1 $0x0  }
0xd: {  	p0 =	por $0x0, $0x0;
	[sflag:s8] =	ssyncpa.u1 $0x0;
	s8 =	sadd.s32 $0x1, s5  }
.LBB1_7:
0xe: {  	s15 =	sadd.s32 $0x1000, s10  }
0xf: {  	s13 =	sadd.s32 $0x2, s11;
	s17 =	smov.u32 s11;
	p2 =	sgt.s32 s15, $0x3FFF  }
0x10: {  	s17 =	smov.u32 @p2 s13  }
0x11: {  	s15 =	smov.u32 @p2 s2;
	p2 =	sgt.s32 s17, $0x19  }
0x12: {  	s17 =	simm.s32 @p2 $0x0;
	p2 =	sne.s32 s12, s8  }
.Ltmp1:
0x13: {  	p1 =	slt.u32 s12, $0x2;
	(pc) =	sbr.rel @!p2 .LBB1_8-.Ltmp1, $4  }
0x14: {  	s16 =	simm.s32 @!p1 $0x2  }
0x15: {  	s14 =	smov.u32 s11;
	p0 =	por !p0, !p0;
	_ =	swait.ge @!p1 [sflag:s16], $0x2000  }
0x16: {  	s13 =	smov.u32 s10;
	[sflag:s16] =	ssyncset.done @!p1 $0x0;
	s10 =	smov.u32 s15  }
0x17: {  	s12 =	sadd.s32 $0x1, s12;
	[sflag:s16] =	ssyncadd.s32 @!p1 $0xFFFFE000;
	s11 =	smov.u32 s17  }
.LBB1_1:
0x18: {  	p1 =	sge.u32 s12, s5  }
0x19: {  	s15 =	sxor.u32 @!p1 $0xFFFFFFFF, s12;
	s16 =	sshll.u32 @!p1 s11, $0x12  }
0x1a: {  	s17 =	sshll.u32 @!p1 s10, $0x4;
	s19 =	simm.s32 @!p1 $0x20;
	s20 =	simm.s32 @!p1 $0x80  }
0x1b: {  	s15 =	sshll.u32 @!p1 s15, $0xD;
	s17 =	sand.u32 @!p1 $0x3FFF0, s17;
	s18 =	sadd.s32 @!p1 s6, s16  }
0x1c: {  	s16 =	sadd.s32 @!p1 s16, s7;
	s15 =	sand.u32 @!p1 $0x2000, s15;
	s18 =	sadd.s32 @!p1 s17, s18  }
0x1d: {  	[tilespmem:s15], [sflag:$0x1] =	stream.strided.gather @!p1 [hbm4b:s18+s19], $0x1000, s20, s19, $0x38;
	[tilespmem:$0x8080] =	vst v63  }
0x1e: {  	s31 =	sadd.s32 $0xFFFFFFFF, s12;
	s16 =	sadd.s32 @!p1 s17, s16;
	s15 =	sor.u32 @!p1 $0x1000, s15  }
0x1f: {  	[tilespmem:s15], [sflag:$0x1] =	stream.strided.gather @!p1 [hbm4b:s16+s19], $0x1000, s20, s19, $0x38;
	[tilespmem:$0x8080] =	vst v63  }
0x20: {  	p1 =	sge.u32 s31, s5  }
.Ltmp2:
0x21: {  	_ = 	snop;
	(pc) =	sbr.rel @p1 .LBB1_7-.Ltmp2, $1  }
0x22: {  	_ =	sdelay $0x3  }
0x23: {  	s15 =	simm.s32 $0x1;
	s17 =	sand.u32 $0x1, s12  }
0x24: {  	_ =	swait.ge [sflag:s4], $0x2000;
	s15 =	simm.s32 @!p0 $0x0;
	s17 =	smul.u32 $0x8100, s17  }
0x25: {  	p2 =	por $0x1, $0x1;
	[sflag:s4] =	ssyncset.done $0x0;
	s16 =	smul.u32 $0x8100, s15  }
0x26: {  	s18 =	sshll.u32 s15, $0xF;
	[sflag:s4] =	ssyncadd.s32 $0xFFFFE000;
	s30 =	sshrl.u32 s17, $0x2  }
0x27: {  	s31 =	sshrl.u32 s18, $0x2;
	s18 =	simm.s32 $0x0;
	s16 =	sshrl.u32 s16, $0x2  }
0x28: {  	s15 =	sor.u32 $0x4000, s30;
	s17 =	sadd.s32 $0x10, s31;
	s16 =	sor.u32 $0x4000, s16  }
.LBB1_3:
0x29: {  	s19 =	sshll.u32 s18, $0xC  }
0x2a: {  	s19 =	sand.u32 $0x3FFFF000, s19  }
0x2b: {  	s20 =	sadd.s32 s19, s17  }
0x2c: {  	s31 =	smul.u32 $0x4080, s18;
	v1 =	vld [tilespmem:s20+$0x0]  }
0x2d: {  	v0 =	vld [tilespmem:s20+$0xFFFFFFF0]  }
0x2e: {  	s18 =	sshra.s32 s31, $0x2  }
0x2f: {  	s18 =	sadd.s32 s18, s16  }
0x30: {  	s21 =	sadd.s32 $0x0, s18  }
0x31: {  	p1 =	por p2, p2;
	s19 =	simm.s32 $0x4;
	s20 =	sadd.s32 $0x20, s20;
	[tilespmem:s21+$0x810 ss:$0x81] =	vst.msk $0xffff, v1  }
.LBB1_4:
0x32: {  	v1 =	vld [tilespmem:s20+$0x0];
	p2 =	sne.s32 s19, $0x1FC;
	[tilespmem:s21+$0x0 ss:$0x81] =	vst.msk $0xffff, v0;
	s21 =	smov.u32 s19;
	s19 =	sadd.s32 $0x4, s19  }
.Ltmp3:
0x33: {  	v0 =	vld [tilespmem:s20+$0xFFFFFFF0];
	(pc) =	sbr.rel @p2 .LBB1_4-.Ltmp3, $4  }
0x34: {  	_ = 	snop  }
0x35: {  	s21 =	sshra.s32 s21, $0x2  }
0x36: {  	s21 =	sadd.s32 s21, s18  }
0x37: {  	s20 =	sadd.s32 $0x20, s20;
	[tilespmem:s21+$0x810 ss:$0x81] =	vst.msk $0xffff, v1  }
.Ltmp4:
0x38: {  	(pc) =	sbr.rel @p1 .LBB1_3-.Ltmp4, $2  }
0x39: {  	_ =	sdelay $0x2  }
0x3a: {  	[tilespmem:s21+$0x0 ss:$0x81] =	vst.msk $0xffff, v0;
	s18 =	simm.s32 $0x1;
	p2 =	por $0x0, $0x0  }
0x3b: {  	s16 =	sshll.u32 s13, $0x3;
	s17 =	sand.u32 $0x78, s13;
	s14 =	sshll.u32 s14, $0x10  }
.Ltmp5:
0x3c: {  	s30 =	sand.u32 $0xF800, s13;
	s16 =	sand.u32 $0x3C00, s16;
	(pc) =	sbr.rel .LBB1_7-.Ltmp5, $4  }
0x3d: {  	s31 =	sand.u32 $0x7, s13;
	s14 =	sadd.s32 s3, s14;
	s16 =	sor.u32 s17, s16  }
0x3e: {  	s13 =	sshll.u32 s31, $0x12;
	s14 =	sadd.s32 s30, s14;
	s16 =	sshrl.u32 s16, $0x3  }
0x3f: {  	s13 =	sor.u32 $0x400, s13;
	s14 =	sadd.s32 s16, s14  }
0x40: {  	[hbm4b:s14+s13] =	stream.strided.scatter [tilespmem:s15], [sflag:$0x2], $0x2000, s9, s13, $0x20;
	[tilespmem:$0x8080] =	vst v63  }
.LBB1_8:
0x41: {  	_ =	sfence.sel $0x180000  }
0x42: {  	s2 =	simm.s32 $0x1;
	[bflag:$0x0] =	sbarrier.arrive $0xFFFF  }
0x43: {  	s31 =	simm.s32 $0x2;
	[sflag:s2] =	ssyncpa.u1 $0x1  }
0x44: {  	[sflag:s31] =	ssyncpa.u1 $0x1  }
0x45: {  	p0 =	sne.s32 s0, $0x0;
	_ =	strace $0x9000004A  }
0x46: {  	s0 =	sadd.s32 @!p0 $0x100000, s1;
	[bflag:$0x2] =	sbarrier.arrive $0xFFFF  }
0x47: {  	[sflag:s0] =	ssyncadd.tile.s32 @!p0 $0x1;
	_ =	shalt  }
.Lfunc_end1:
_tile_overlayer_lowered:
.L_overlay_start_2:
0x48: {  	(tag) =	ssettag $0x2  }
0x49: {  	s0 =	rddreg [dreg:$0x0];
	s2 =	stileid.u32  }
0x4a: {  	s1 =	rddreg [dreg:$0x1];
	p0 =	sne.s32 s2, $0x0  }
0x4b: {  	s3 =	rddreg [dreg:$0x2];
	[bflag:$0x3] =	sbarrier.arrive $0xFFFF;
	s2 =	simm.s32 @!p0 $0x1C01  }
0x4c: {  	[timem:s3], [sflag:s2] =	dma.local @!p0 [hbm:s0], s1  }
0x4d: {  	s0 =	simm.s32 @!p0 $0x1  }
0x4e: {  	_ =	swait.ge @!p0 [sflag:s0], s1  }
0x4f: {  	s1 =	ssub.s32 @!p0 $0x0, s1;
	[sflag:s0] =	ssyncset.done @!p0 $0x0  }
0x50: {  	[sflag:s0] =	ssyncadd.s32 @!p0 s1  }
0x51: {  	[bflag:$0x3] =	sbarrier.arrive $0xFFFF  }
0x52: {  	_ =	shalt  }

</sc_bundles>
